<compile_context>
chip_gen: v7x
topology: tpu7x:2x2x1
jax: 0.10.2.dev20260603
libtpu: 0.0.44.dev20260713+nightly
codegen_flags: <defaults>
</compile_context>

<pallas_src>
import functools

import jax
import jax.numpy as jnp
from jax import lax
from jax.experimental import pallas as pl
from jax.experimental.pallas import tpu as pltpu
from jax.experimental.pallas import tpu_sc as plsc

B = 16384
F = 26
FPAD = 32
V = 1000000
D = 16

NC = 2
NS = 16
NW = NC * NS
RW = B // NW
CB = 128
NCHUNK = RW // CB
FP = 512
NT = FP // 128
GPC = CB * 8


NCT = NCHUNK * NT
IDXW = NCT * GPC


def _sc_prep_body(bias_hbm, feat_hbm, fv_hbm,
                  idx_out, first_out,
                  feat_blk, fv_blk, idx_v, bias_v, acc_v, sem_b):
    wid = lax.axis_index("s") * NC + lax.axis_index("c")
    b0 = wid * RW
    lanes = lax.iota(jnp.int32, 16)

    pltpu.sync_copy(feat_hbm.at[pl.ds(b0, RW), :], feat_blk)
    pltpu.sync_copy(fv_hbm.at[pl.ds(b0, RW), :], fv_blk)

    def zero(k, carry):
        acc_v[pl.ds(k * 16, 16)] = jnp.zeros((16,), jnp.float32)
        return carry

    lax.fori_loop(0, RW // 16, zero, 0)

    def chunk_body(ct, carry):
        c = ct // NT
        t = ct % NT
        bc = c * CB

        def build(g, carry):
            i = g * 16 + lanes
            fl = i // CB
            bl = i % CB
            f = jnp.minimum(t * 8 + fl, F - 1)
            idx_v[pl.ds(g * 16, 16)] = plsc.bitcast(
                plsc.load_gather(feat_blk, [bc + bl, f]), jnp.int32)
            return carry

        lax.fori_loop(0, GPC // 16, build, 0)
        pltpu.sync_copy(idx_v, idx_out.at[pl.ds(wid * IDXW + ct * GPC, GPC)])
        cp_b = pltpu.async_copy(bias_hbm.at[idx_v], bias_v, sem_b)
        cp_b.wait()

        def fma_fl(fl, carry):
            def fma(k, carry):
                fv_vec = plsc.load_gather(
                    fv_blk, [bc + k * 16 + lanes,
                             jnp.full((16,), t * 8 + fl, jnp.int32)])
                s = pl.ds(bc + k * 16, 16)
                acc_v[s] = (acc_v[s]
                            + bias_v[pl.ds(fl * CB + k * 16, 16)] * fv_vec)
                return carry

            lax.fori_loop(0, CB // 16, fma, 0)
            return carry

        lax.fori_loop(0, jnp.where(t == NT - 1, F - 8 * (NT - 1), 8),
                      fma_fl, 0)
        return carry

    lax.fori_loop(0, NCT, chunk_body, 0)
    pltpu.sync_copy(acc_v, first_out.at[pl.ds(b0, RW)])


_sc_prep = functools.partial(
    pl.kernel,
    out_type=[
        jax.ShapeDtypeStruct((NW * IDXW,), jnp.int32),
        jax.ShapeDtypeStruct((B,), jnp.float32),
    ],
    mesh=plsc.VectorSubcoreMesh(core_axis_name="c", subcore_axis_name="s"),
    scratch_types=[
        pltpu.VMEM((RW, FPAD), jnp.float32),
        pltpu.VMEM((RW, FPAD), jnp.float32),
        pltpu.VMEM((GPC,), jnp.int32),
        pltpu.VMEM((GPC,), jnp.float32),
        pltpu.VMEM((RW,), jnp.float32),
        pltpu.SemaphoreType.DMA,
    ],
    compiler_params=pltpu.CompilerParams(use_tc_tiling_on_sc=False,
                                         needs_layout_passes=False),
)(_sc_prep_body)


def _sc_gather_body(emb_hbm, idx_hbm, rows_out,
                    idx_a, idx_b, stage_a, stage_b, sem_a, sem_b):
    wid = lax.axis_index("s") * NC + lax.axis_index("c")
    b0 = wid * RW

    def start(ct, idx_v, stage_v, sem):
        pltpu.sync_copy(idx_hbm.at[pl.ds(wid * IDXW + ct * GPC, GPC)], idx_v)
        return pltpu.async_copy(emb_hbm.at[idx_v], stage_v, sem)

    def drain(ct, stage_v):
        c = ct // NT
        t = ct % NT
        bc = c * CB

        def wr(fl, carry):
            pltpu.sync_copy(
                stage_v.at[pl.ds(fl * CB, CB), :],
                rows_out.at[t, pl.ds(b0 + bc, CB), pl.ds(fl * D, D)])
            return carry

        lax.fori_loop(0, 8, wr, 0)

    start(0, idx_a, stage_a, sem_a).wait()

    def step(i, carry):
        ct = 2 * i
        cp = start(ct + 1, idx_b, stage_b, sem_b)
        drain(ct, stage_a)
        cp.wait()
        cp = start(ct + 2, idx_a, stage_a, sem_a)
        drain(ct + 1, stage_b)
        cp.wait()
        return carry

    lax.fori_loop(0, (NCT - 2) // 2, step, 0)
    cp = start(NCT - 1, idx_b, stage_b, sem_b)
    drain(NCT - 2, stage_a)
    cp.wait()
    drain(NCT - 1, stage_b)


_sc_gather = functools.partial(
    pl.kernel,
    out_type=jax.ShapeDtypeStruct((NT, B, 128), jnp.float32),
    mesh=plsc.VectorSubcoreMesh(core_axis_name="c", subcore_axis_name="s"),
    scratch_types=[
        pltpu.VMEM((GPC,), jnp.int32),
        pltpu.VMEM((GPC,), jnp.int32),
        pltpu.VMEM((GPC, D), jnp.float32),
        pltpu.VMEM((GPC, D), jnp.float32),
        pltpu.SemaphoreType.DMA,
        pltpu.SemaphoreType.DMA,
    ],
    compiler_params=pltpu.CompilerParams(use_tc_tiling_on_sc=False,
                                         needs_layout_passes=False),
)(_sc_gather_body)


BM = 256


def _tc_body(scal_ref, rows_ref, fv_ref, e_ref, p_ref,
             w1t_ref, b1_ref, w2t_ref, b2_ref, wph_ref, out_ref):
    fv = fv_ref[...]
    acc_s1 = jnp.zeros((BM, D), jnp.float32)
    acc_sq = jnp.zeros((BM, D), jnp.float32)
    acc_h = jnp.zeros((BM, 256), jnp.float32)
    for t in range(NT):
        ts = pl.ds(t * 128, 128)
        xt = rows_ref[t]
        fvet = jnp.dot(fv, e_ref[:, ts],
                       preferred_element_type=jnp.float32)
        fet = xt * fvet
        acc_s1 = acc_s1 + jnp.dot(fet, p_ref[ts, :],
                                  preferred_element_type=jnp.float32)
        acc_sq = acc_sq + jnp.dot(fet * fet, p_ref[ts, :],
                                  preferred_element_type=jnp.float32)
        acc_h = acc_h + jnp.dot(fet, w1t_ref[ts, :],
                                preferred_element_type=jnp.float32)
    second = 0.5 * jnp.sum(acc_s1 * acc_s1 - acc_sq, axis=1, keepdims=True)
    h = jnp.maximum(acc_h + b1_ref[...], 0.0)
    h = jnp.dot(h, w2t_ref[...], preferred_element_type=jnp.float32)
    h = jnp.maximum(h + b2_ref[...], 0.0)
    o = jnp.dot(h, wph_ref[...], preferred_element_type=jnp.float32)
    out_ref[...] = o + second * scal_ref[1] + scal_ref[2]


def _tc_fused(rows3, fv, e_mat, p_mat, w1t, b1r, w2t, b2r, wph, scal):
    grid = (B // BM,)
    full2 = lambda shape: pl.BlockSpec(shape, lambda i: (0, 0))
    return pl.pallas_call(
        _tc_body,
        grid=grid,
        in_specs=[
            pl.BlockSpec(memory_space=pltpu.SMEM),
            pl.BlockSpec((NT, BM, 128), lambda i: (0, i, 0)),
            pl.BlockSpec((BM, F), lambda i: (i, 0)),
            full2((F, FP)),
            full2((FP, D)),
            full2((FP, 256)),
            full2((1, 256)),
            full2((256, 128)),
            full2((1, 128)),
            full2((128, 1)),
        ],
        out_specs=pl.BlockSpec((BM, 1), lambda i: (i, 0)),
        out_shape=jax.ShapeDtypeStruct((B, 1), jnp.float32),
    )(scal, rows3, fv, e_mat, p_mat, w1t, b1r, w2t, b2r, wph)


def kernel(features, feature_values, emb_table, bias_table,
           W1, b1, W2, b2, Wp, bp):
    bias_flat = bias_table.reshape(-1)
    feat_p = jnp.pad(
        lax.bitcast_convert_type(features.astype(jnp.int32), jnp.float32),
        ((0, 0), (0, FPAD - F)))
    fv_p = jnp.pad(feature_values, ((0, 0), (0, FPAD - F)))

    idx_all, first = _sc_prep(bias_flat, feat_p, fv_p)
    rows3 = _sc_gather(emb_table, idx_all)

    cols = jnp.arange(FP, dtype=jnp.int32)
    fcol = (cols // 128) * 8 + (cols % 128) // D
    dcol = cols % D
    valid = fcol < F
    e_mat = ((fcol[None, :] == jnp.arange(F, dtype=jnp.int32)[:, None])
             & valid[None, :]).astype(jnp.float32)
    p_mat = ((dcol[:, None] == jnp.arange(D, dtype=jnp.int32)[None, :])
             & valid[:, None]).astype(jnp.float32)
    w1t_pad = jnp.pad(W1.T, ((0, FP - F * D), (0, 0)))
    scal = jnp.concatenate([Wp[0, :2], bp]).astype(jnp.float32)

    out = _tc_fused(rows3, feature_values, e_mat, p_mat,
                    w1t_pad, b1.reshape(1, -1), W2.T, b2.reshape(1, -1),
                    Wp[0, 2:].reshape(-1, 1), scal)
    return out.reshape(-1) + first * Wp[0, 0]

# --- scband reference (transcript-rebuilt; emitter-appended) ---
"""Pipeline reference for scband-deep-fm-89464168775988 (READ-ONLY COPY).

The authoritative reference and input builder live on the scoring server;
editing this copy changes nothing except your own understanding.
"""

import jax, jax.numpy as jnp
import numpy as np

B = 16384
F = 26
V = 1000000
D = 16
H1 = 256
H2 = 128

def setup_inputs(seed: int = 0) -> dict:
    key = jax.random.key(seed)
    ks = jax.random.split(key, 12)
    features = jax.random.randint(ks[0], (B, F), 0, V, dtype=jnp.int64) if jax.config.jax_enable_x64 else jax.random.randint(ks[0], (B, F), 0, V, dtype=jnp.int32)
    feature_values = jax.random.uniform(ks[1], (B, F), dtype=jnp.float32)
    emb_table = jax.random.normal(ks[2], (V, D), dtype=jnp.float32) * 0.01
    bias_table = jax.random.uniform(ks[3], (V, 1), dtype=jnp.float32)
    in1 = F * D
    W1 = jax.random.normal(ks[4], (H1, in1), dtype=jnp.float32) * (2.0 / (H1 + in1)) ** 0.5
    b1 = jnp.zeros((H1,), dtype=jnp.float32)
    W2 = jax.random.normal(ks[5], (H2, H1), dtype=jnp.float32) * (2.0 / (H2 + H1)) ** 0.5
    b2 = jnp.zeros((H2,), dtype=jnp.float32)
    Wp = jax.random.normal(ks[6], (1, H2 + 2), dtype=jnp.float32) * (2.0 / (1 + H2 + 2)) ** 0.5
    bp = jnp.zeros((1,), dtype=jnp.float32)
    return {"features": features, "feature_values": feature_values,
            "emb_table": emb_table, "bias_table": bias_table,
            "W1": W1, "b1": b1, "W2": W2, "b2": b2, "Wp": Wp, "bp": bp}

def reference(features, feature_values, emb_table, bias_table, W1, b1, W2, b2, Wp, bp):
    fv = feature_values[:, :, None]                       # [B, F, 1]
    fe = jnp.take(emb_table, features, axis=0) * fv       # [B, F, D]
    fb = jnp.take(bias_table, features, axis=0)           # [B, F, 1]
    first_order = (fb * fv).sum(axis=1)                   # [B, 1] (dropout p=0 -> identity)
    sum_square = jnp.square(fe.sum(axis=1))               # [B, D]
    square_sum = jnp.square(fe).sum(axis=1)               # [B, D]
    second_order = (0.5 * (sum_square - square_sum)).sum(axis=1, keepdims=True)  # [B, 1]
    deep_input = fe.reshape(-1, F * D)
    h = jax.nn.relu(deep_input @ W1.T + b1)
    h = jax.nn.relu(h @ W2.T + b2)
    concat_input = jnp.concatenate([first_order, second_order, h], axis=1)
    out = concat_input @ Wp.T + bp
    return out.reshape(-1)

if __name__ == "__main__":
    import jax
    _d = setup_inputs()
    print(jax.jit(kernel)(*tuple(_d.values())))

</pallas_src>

<mosaic_0001>
#map = affine_map<(d0, d1) -> (0, 0)>
#map1 = affine_map<(d0, d1) -> (0)>
#map2 = affine_map<(d0, d1) -> (0, 0, 0)>
module attributes {stable_mosaic.version = 14 : i64} {
  func.func @_sc_gather_body(%arg0: i32, %arg1: i32, %arg2: memref<1000000x16xf32, #tpu.memory_space<hbm>>, %arg3: memref<524288xi32, #tpu.memory_space<hbm>>, %arg4: memref<4x16384x128xf32, #tpu.memory_space<hbm>>, %arg5: memref<1024xi32, #tpu.memory_space<vmem>>, %arg6: memref<1024xi32, #tpu.memory_space<vmem>>, %arg7: memref<1024x16xf32, #tpu.memory_space<vmem>>, %arg8: memref<1024x16xf32, #tpu.memory_space<vmem>>, %arg9: memref<!tpu.dma_semaphore, #tpu.memory_space<semaphore_mem>>, %arg10: memref<!tpu.dma_semaphore, #tpu.memory_space<semaphore_mem>>) attributes {dimension_semantics = [#tpu.dimension_semantics<core_parallel>, #tpu.dimension_semantics<subcore_parallel>], iteration_bounds = array<i64: 2, 16>, scalar_prefetch = 0 : i64, scratch_operands = 6 : i64, tpu.core_type = #tpu.core_type<sc_vector_subcore>, window_params = [{transform_indices = #map}, {transform_indices = #map1}, {transform_indices = #map2}]} {
    %mul3A = arith.constant 2 : i32
    %mul3A_0 = arith.muli %arg1, %mul3A : i32
    %add3A = arith.addi %mul3A_0, %arg0 : i32
    %mul3A_1 = arith.constant 512 : i32
    %mul3A_2 = arith.muli %add3A, %mul3A_1 : i32
    %mul3A_3 = arith.constant 16384 : i32
    %mul3A_4 = arith.muli %add3A, %mul3A_3 : i32
    %add3A_5 = arith.constant 0 : i32
    %add3A_6 = arith.addi %mul3A_4, %add3A_5 : i32
    "tpu.region"() ({
      %run_scoped3A = tpu.sem_alloc : memref<!tpu.dma_semaphore, #tpu.memory_space<semaphore_mem>>
      %dma_start3A_38 = tpu.memref_slice %arg3[%add3A_6] : memref<524288xi32, #tpu.memory_space<hbm>> -> memref<1024xi32, #tpu.memory_space<hbm>>
      %dma_start3A_39 = tpu.memref_slice %arg3[%add3A_6] : memref<524288xi32, #tpu.memory_space<hbm>> -> memref<1024xi32, #tpu.memory_space<hbm>>
      tpu.enqueue_dma source(%dma_start3A_39 : memref<1024xi32, #tpu.memory_space<hbm>>) target(%arg5 : memref<1024xi32, #tpu.memory_space<vmem>>) target_semaphore(%run_scoped3A : memref<!tpu.dma_semaphore, #tpu.memory_space<semaphore_mem>>)
      %dma_wait3A_40 = tpu.memref_slice %arg3[%add3A_6] : memref<524288xi32, #tpu.memory_space<hbm>> -> memref<1024xi32, #tpu.memory_space<hbm>>
      %dma_wait3A_41 = tpu.memref_slice %arg3[%add3A_6] : memref<524288xi32, #tpu.memory_space<hbm>> -> memref<1024xi32, #tpu.memory_space<hbm>>
      tpu.wait_dma2 semaphore(%run_scoped3A : memref<!tpu.dma_semaphore, #tpu.memory_space<semaphore_mem>>) src(%dma_wait3A_41 : memref<1024xi32, #tpu.memory_space<hbm>>) dst(%arg5 : memref<1024xi32, #tpu.memory_space<vmem>>)
      tpu.yield
    }) : () -> ()
    %dma_start3A = arith.constant 0 : i32
    %dma_start3A_7 = arith.constant 0 : i32
    %dma_start3A_8 = tpu.memref_slice %arg2[%dma_start3A, %dma_start3A_7] : memref<1000000x16xf32, #tpu.memory_space<hbm>> -> memref<1000000x16xf32, #tpu.memory_space<hbm>>
    tpu.enqueue_indirect_dma source(%dma_start3A_8 : memref<1000000x16xf32, #tpu.memory_space<hbm>>) target(%arg7 : memref<1024x16xf32, #tpu.memory_space<vmem>>) offsets(%arg5 : memref<1024xi32, #tpu.memory_space<vmem>>) semaphore(%arg9 : memref<!tpu.dma_semaphore, #tpu.memory_space<semaphore_mem>>)
    %dma_wait3A = arith.constant 0 : i32
    %dma_wait3A_9 = arith.constant 0 : i32
    %dma_wait3A_10 = tpu.memref_slice %arg2[%dma_wait3A, %dma_wait3A_9] : memref<1000000x16xf32, #tpu.memory_space<hbm>> -> memref<1000000x16xf32, #tpu.memory_space<hbm>>
    tpu.wait_indirect_dma semaphore(%arg9 : memref<!tpu.dma_semaphore, #tpu.memory_space<semaphore_mem>>) src(%dma_wait3A_10 : memref<1000000x16xf32, #tpu.memory_space<hbm>>) dst(%arg7 : memref<1024x16xf32, #tpu.memory_space<vmem>>)
    %scan3A = arith.constant 0 : i32
    %scan3A_11 = arith.constant 0 : i32
    %scan3A_12 = arith.constant 7 : i32
    %scan3A_13 = arith.addi %scan3A_11, %scan3A_12 : i32
    %scan3A_14 = arith.constant 1 : i32
    scf.for %scan3A_38 = %scan3A_11 to %scan3A_13 step %scan3A_14  : i32 {
      %mul3A_39 = arith.constant 2 : i32
      %mul3A_40 = arith.muli %mul3A_39, %scan3A_38 : i32
      %add3A_41 = arith.constant 1 : i32
      %add3A_42 = arith.addi %mul3A_40, %add3A_41 : i32
      %mul3A_43 = arith.constant 16384 : i32
      %mul3A_44 = arith.muli %add3A, %mul3A_43 : i32
      %mul3A_45 = arith.constant 1024 : i32
      %mul3A_46 = arith.muli %add3A_42, %mul3A_45 : i32
      %add3A_47 = arith.addi %mul3A_44, %mul3A_46 : i32
      "tpu.region"() ({
        %run_scoped3A = tpu.sem_alloc : memref<!tpu.dma_semaphore, #tpu.memory_space<semaphore_mem>>
        %dma_start3A_155 = tpu.memref_slice %arg3[%add3A_47] : memref<524288xi32, #tpu.memory_space<hbm>> -> memref<1024xi32, #tpu.memory_space<hbm>>
        %dma_start3A_156 = tpu.memref_slice %arg3[%add3A_47] : memref<524288xi32, #tpu.memory_space<hbm>> -> memref<1024xi32, #tpu.memory_space<hbm>>
        tpu.enqueue_dma source(%dma_start3A_156 : memref<1024xi32, #tpu.memory_space<hbm>>) target(%arg6 : memref<1024xi32, #tpu.memory_space<vmem>>) target_semaphore(%run_scoped3A : memref<!tpu.dma_semaphore, #tpu.memory_space<semaphore_mem>>)
        %dma_wait3A_157 = tpu.memref_slice %arg3[%add3A_47] : memref<524288xi32, #tpu.memory_space<hbm>> -> memref<1024xi32, #tpu.memory_space<hbm>>
        %dma_wait3A_158 = tpu.memref_slice %arg3[%add3A_47] : memref<524288xi32, #tpu.memory_space<hbm>> -> memref<1024xi32, #tpu.memory_space<hbm>>
        tpu.wait_dma2 semaphore(%run_scoped3A : memref<!tpu.dma_semaphore, #tpu.memory_space<semaphore_mem>>) src(%dma_wait3A_158 : memref<1024xi32, #tpu.memory_space<hbm>>) dst(%arg6 : memref<1024xi32, #tpu.memory_space<vmem>>)
        tpu.yield
      }) : () -> ()
      %dma_start3A_48 = arith.constant 0 : i32
      %dma_start3A_49 = arith.constant 0 : i32
      %dma_start3A_50 = tpu.memref_slice %arg2[%dma_start3A_48, %dma_start3A_49] : memref<1000000x16xf32, #tpu.memory_space<hbm>> -> memref<1000000x16xf32, #tpu.memory_space<hbm>>
      tpu.enqueue_indirect_dma source(%dma_start3A_50 : memref<1000000x16xf32, #tpu.memory_space<hbm>>) target(%arg8 : memref<1024x16xf32, #tpu.memory_space<vmem>>) offsets(%arg6 : memref<1024xi32, #tpu.memory_space<vmem>>) semaphore(%arg10 : memref<!tpu.dma_semaphore, #tpu.memory_space<semaphore_mem>>)
      %jit3A = arith.constant 4 : i32
      %div3A = arith.divsi %mul3A_40, %jit3A : i32
      %sign3A = arith.constant 0 : i32
      %sign3A_51 = arith.cmpi sgt, %mul3A_40, %sign3A : i32
      %sign3A_52 = arith.extui %sign3A_51 : i1 to i32
      %sign3A_53 = arith.constant 0 : i32
      %sign3A_54 = arith.cmpi slt, %mul3A_40, %sign3A_53 : i32
      %sign3A_55 = arith.extui %sign3A_54 : i1 to i32
      %sign3A_56 = arith.subi %sign3A_52, %sign3A_55 : i32
      %sign3A_57 = arith.constant 0 : i32
      %sign3A_58 = arith.cmpi sgt, %jit3A, %sign3A_57 : i32
      %sign3A_59 = arith.extui %sign3A_58 : i1 to i32
      %sign3A_60 = arith.constant 0 : i32
      %sign3A_61 = arith.cmpi slt, %jit3A, %sign3A_60 : i32
      %sign3A_62 = arith.extui %sign3A_61 : i1 to i32
      %sign3A_63 = arith.subi %sign3A_59, %sign3A_62 : i32
      %ne3A = arith.cmpi ne, %sign3A_56, %sign3A_63 : i32
      %rem3A = arith.remsi %mul3A_40, %jit3A : i32
      %ne3A_64 = arith.constant 0 : i32
      %ne3A_65 = arith.cmpi ne, %rem3A, %ne3A_64 : i32
      %and3A = arith.andi %ne3A, %ne3A_65 : i1
      %sub3A = arith.constant 1 : i32
      %sub3A_66 = arith.subi %div3A, %sub3A : i32
      %select_n3A = arith.select %and3A, %sub3A_66, %div3A : i32
      %jit3A_67 = arith.constant 4 : i32
      %eq3A = arith.constant 0 : i32
      %eq3A_68 = arith.cmpi eq, %jit3A_67, %eq3A : i32
      %jit3A_69 = arith.constant 1 : i32
      %select_n3A_70 = arith.select %eq3A_68, %jit3A_69, %jit3A_67 : i32
      %rem3A_71 = arith.remsi %mul3A_40, %select_n3A_70 : i32
      %ne3A_72 = arith.constant 0 : i32
      %ne3A_73 = arith.cmpi ne, %rem3A_71, %ne3A_72 : i32
      %lt3A = arith.constant 0 : i32
      %lt3A_74 = arith.cmpi slt, %rem3A_71, %lt3A : i32
      %lt3A_75 = arith.constant 0 : i32
      %lt3A_76 = arith.cmpi slt, %select_n3A_70, %lt3A_75 : i32
      %ne3A_77 = arith.xori %lt3A_74, %lt3A_76 : i1
      %and3A_78 = arith.andi %ne3A_77, %ne3A_73 : i1
      %add3A_79 = arith.addi %rem3A_71, %select_n3A_70 : i32
      %select_n3A_80 = arith.select %and3A_78, %add3A_79, %rem3A_71 : i32
      %mul3A_81 = arith.constant 128 : i32
      %mul3A_82 = arith.muli %select_n3A, %mul3A_81 : i32
      %scan3A_83 = arith.constant 0 : i32
      %scan3A_84 = arith.constant 0 : i32
      %scan3A_85 = arith.constant 8 : i32
      %scan3A_86 = arith.addi %scan3A_84, %scan3A_85 : i32
      %scan3A_87 = arith.constant 1 : i32
      scf.for %scan3A_155 = %scan3A_84 to %scan3A_86 step %scan3A_87  : i32 {
        %mul3A_156 = arith.constant 128 : i32
        %mul3A_157 = arith.muli %scan3A_155, %mul3A_156 : i32
        %add3A_158 = arith.addi %mul3A_2, %mul3A_82 : i32
        %mul3A_159 = arith.constant 16 : i32
        %mul3A_160 = arith.muli %scan3A_155, %mul3A_159 : i32
        "tpu.region"() ({
          %run_scoped3A = tpu.sem_alloc : memref<!tpu.dma_semaphore, #tpu.memory_space<semaphore_mem>>
          %dma_start3A_161 = arith.constant 0 : i32
          %dma_start3A_162 = tpu.memref_slice %arg7[%mul3A_157, %dma_start3A_161] : memref<1024x16xf32, #tpu.memory_space<vmem>> -> memref<128x16xf32, #tpu.memory_space<vmem>>
          %dma_start3A_163 = tpu.memref_slice %arg4[%select_n3A_80, %add3A_158, %mul3A_160] : memref<4x16384x128xf32, #tpu.memory_space<hbm>> -> memref<1x128x16xf32, #tpu.memory_space<hbm>>
          %dma_start3A_164 = tpu.memref_squeeze %dma_start3A_163 : memref<1x128x16xf32, #tpu.memory_space<hbm>> -> memref<128x16xf32, #tpu.memory_space<hbm>>
          %dma_start3A_165 = tpu.memref_slice %arg4[%select_n3A_80, %add3A_158, %mul3A_160] : memref<4x16384x128xf32, #tpu.memory_space<hbm>> -> memref<1x128x16xf32, #tpu.memory_space<hbm>>
          %dma_start3A_166 = tpu.memref_squeeze %dma_start3A_165 : memref<1x128x16xf32, #tpu.memory_space<hbm>> -> memref<128x16xf32, #tpu.memory_space<hbm>>
          %dma_start3A_167 = arith.constant 0 : i32
          %dma_start3A_168 = tpu.memref_slice %arg7[%mul3A_157, %dma_start3A_167] : memref<1024x16xf32, #tpu.memory_space<vmem>> -> memref<128x16xf32, #tpu.memory_space<vmem>>
          tpu.enqueue_dma source(%dma_start3A_168 : memref<128x16xf32, #tpu.memory_space<vmem>>) target(%dma_start3A_166 : memref<128x16xf32, #tpu.memory_space<hbm>>) target_semaphore(%run_scoped3A : memref<!tpu.dma_semaphore, #tpu.memory_space<semaphore_mem>>)
          %dma_wait3A_169 = arith.constant 0 : i32
          %dma_wait3A_170 = tpu.memref_slice %arg7[%mul3A_157, %dma_wait3A_169] : memref<1024x16xf32, #tpu.memory_space<vmem>> -> memref<128x16xf32, #tpu.memory_space<vmem>>
          %dma_wait3A_171 = tpu.memref_slice %arg4[%select_n3A_80, %add3A_158, %mul3A_160] : memref<4x16384x128xf32, #tpu.memory_space<hbm>> -> memref<1x128x16xf32, #tpu.memory_space<hbm>>
          %dma_wait3A_172 = tpu.memref_squeeze %dma_wait3A_171 : memref<1x128x16xf32, #tpu.memory_space<hbm>> -> memref<128x16xf32, #tpu.memory_space<hbm>>
          %dma_wait3A_173 = tpu.memref_slice %arg4[%select_n3A_80, %add3A_158, %mul3A_160] : memref<4x16384x128xf32, #tpu.memory_space<hbm>> -> memref<1x128x16xf32, #tpu.memory_space<hbm>>
          %dma_wait3A_174 = tpu.memref_squeeze %dma_wait3A_173 : memref<1x128x16xf32, #tpu.memory_space<hbm>> -> memref<128x16xf32, #tpu.memory_space<hbm>>
          %dma_wait3A_175 = arith.constant 0 : i32
          %dma_wait3A_176 = tpu.memref_slice %arg7[%mul3A_157, %dma_wait3A_175] : memref<1024x16xf32, #tpu.memory_space<vmem>> -> memref<128x16xf32, #tpu.memory_space<vmem>>
          tpu.wait_dma2 semaphore(%run_scoped3A : memref<!tpu.dma_semaphore, #tpu.memory_space<semaphore_mem>>) src(%dma_wait3A_176 : memref<128x16xf32, #tpu.memory_space<vmem>>) dst(%dma_wait3A_174 : memref<128x16xf32, #tpu.memory_space<hbm>>)
          tpu.yield
        }) : () -> ()
      }
      %scan3A_88 = arith.constant 8 : i32
      %dma_wait3A_89 = arith.constant 0 : i32
      %dma_wait3A_90 = arith.constant 0 : i32
      %dma_wait3A_91 = tpu.memref_slice %arg2[%dma_wait3A_89, %dma_wait3A_90] : memref<1000000x16xf32, #tpu.memory_space<hbm>> -> memref<1000000x16xf32, #tpu.memory_space<hbm>>
      tpu.wait_indirect_dma semaphore(%arg10 : memref<!tpu.dma_semaphore, #tpu.memory_space<semaphore_mem>>) src(%dma_wait3A_91 : memref<1000000x16xf32, #tpu.memory_space<hbm>>) dst(%arg8 : memref<1024x16xf32, #tpu.memory_space<vmem>>)
      %add3A_92 = arith.constant 2 : i32
      %add3A_93 = arith.addi %mul3A_40, %add3A_92 : i32
      %mul3A_94 = arith.constant 16384 : i32
      %mul3A_95 = arith.muli %add3A, %mul3A_94 : i32
      %mul3A_96 = arith.constant 1024 : i32
      %mul3A_97 = arith.muli %add3A_93, %mul3A_96 : i32
      %add3A_98 = arith.addi %mul3A_95, %mul3A_97 : i32
      "tpu.region"() ({
        %run_scoped3A = tpu.sem_alloc : memref<!tpu.dma_semaphore, #tpu.memory_space<semaphore_mem>>
        %dma_start3A_155 = tpu.memref_slice %arg3[%add3A_98] : memref<524288xi32, #tpu.memory_space<hbm>> -> memref<1024xi32, #tpu.memory_space<hbm>>
        %dma_start3A_156 = tpu.memref_slice %arg3[%add3A_98] : memref<524288xi32, #tpu.memory_space<hbm>> -> memref<1024xi32, #tpu.memory_space<hbm>>
        tpu.enqueue_dma source(%dma_start3A_156 : memref<1024xi32, #tpu.memory_space<hbm>>) target(%arg5 : memref<1024xi32, #tpu.memory_space<vmem>>) target_semaphore(%run_scoped3A : memref<!tpu.dma_semaphore, #tpu.memory_space<semaphore_mem>>)
        %dma_wait3A_157 = tpu.memref_slice %arg3[%add3A_98] : memref<524288xi32, #tpu.memory_space<hbm>> -> memref<1024xi32, #tpu.memory_space<hbm>>
        %dma_wait3A_158 = tpu.memref_slice %arg3[%add3A_98] : memref<524288xi32, #tpu.memory_space<hbm>> -> memref<1024xi32, #tpu.memory_space<hbm>>
        tpu.wait_dma2 semaphore(%run_scoped3A : memref<!tpu.dma_semaphore, #tpu.memory_space<semaphore_mem>>) src(%dma_wait3A_158 : memref<1024xi32, #tpu.memory_space<hbm>>) dst(%arg5 : memref<1024xi32, #tpu.memory_space<vmem>>)
        tpu.yield
      }) : () -> ()
      %dma_start3A_99 = arith.constant 0 : i32
      %dma_start3A_100 = arith.constant 0 : i32
      %dma_start3A_101 = tpu.memref_slice %arg2[%dma_start3A_99, %dma_start3A_100] : memref<1000000x16xf32, #tpu.memory_space<hbm>> -> memref<1000000x16xf32, #tpu.memory_space<hbm>>
      tpu.enqueue_indirect_dma source(%dma_start3A_101 : memref<1000000x16xf32, #tpu.memory_space<hbm>>) target(%arg7 : memref<1024x16xf32, #tpu.memory_space<vmem>>) offsets(%arg5 : memref<1024xi32, #tpu.memory_space<vmem>>) semaphore(%arg9 : memref<!tpu.dma_semaphore, #tpu.memory_space<semaphore_mem>>)
      %add3A_102 = arith.constant 1 : i32
      %add3A_103 = arith.addi %mul3A_40, %add3A_102 : i32
      %jit3A_104 = arith.constant 4 : i32
      %div3A_105 = arith.divsi %add3A_103, %jit3A_104 : i32
      %sign3A_106 = arith.constant 0 : i32
      %sign3A_107 = arith.cmpi sgt, %add3A_103, %sign3A_106 : i32
      %sign3A_108 = arith.extui %sign3A_107 : i1 to i32
      %sign3A_109 = arith.constant 0 : i32
      %sign3A_110 = arith.cmpi slt, %add3A_103, %sign3A_109 : i32
      %sign3A_111 = arith.extui %sign3A_110 : i1 to i32
      %sign3A_112 = arith.subi %sign3A_108, %sign3A_111 : i32
      %sign3A_113 = arith.constant 0 : i32
      %sign3A_114 = arith.cmpi sgt, %jit3A_104, %sign3A_113 : i32
      %sign3A_115 = arith.extui %sign3A_114 : i1 to i32
      %sign3A_116 = arith.constant 0 : i32
      %sign3A_117 = arith.cmpi slt, %jit3A_104, %sign3A_116 : i32
      %sign3A_118 = arith.extui %sign3A_117 : i1 to i32
      %sign3A_119 = arith.subi %sign3A_115, %sign3A_118 : i32
      %ne3A_120 = arith.cmpi ne, %sign3A_112, %sign3A_119 : i32
      %rem3A_121 = arith.remsi %add3A_103, %jit3A_104 : i32
      %ne3A_122 = arith.constant 0 : i32
      %ne3A_123 = arith.cmpi ne, %rem3A_121, %ne3A_122 : i32
      %and3A_124 = arith.andi %ne3A_120, %ne3A_123 : i1
      %sub3A_125 = arith.constant 1 : i32
      %sub3A_126 = arith.subi %div3A_105, %sub3A_125 : i32
      %select_n3A_127 = arith.select %and3A_124, %sub3A_126, %div3A_105 : i32
      %jit3A_128 = arith.constant 4 : i32
      %eq3A_129 = arith.constant 0 : i32
      %eq3A_130 = arith.cmpi eq, %jit3A_128, %eq3A_129 : i32
      %jit3A_131 = arith.constant 1 : i32
      %select_n3A_132 = arith.select %eq3A_130, %jit3A_131, %jit3A_128 : i32
      %rem3A_133 = arith.remsi %add3A_103, %select_n3A_132 : i32
      %ne3A_134 = arith.constant 0 : i32
      %ne3A_135 = arith.cmpi ne, %rem3A_133, %ne3A_134 : i32
      %lt3A_136 = arith.constant 0 : i32
      %lt3A_137 = arith.cmpi slt, %rem3A_133, %lt3A_136 : i32
      %lt3A_138 = arith.constant 0 : i32
      %lt3A_139 = arith.cmpi slt, %select_n3A_132, %lt3A_138 : i32
      %ne3A_140 = arith.xori %lt3A_137, %lt3A_139 : i1
      %and3A_141 = arith.andi %ne3A_140, %ne3A_135 : i1
      %add3A_142 = arith.addi %rem3A_133, %select_n3A_132 : i32
      %select_n3A_143 = arith.select %and3A_141, %add3A_142, %rem3A_133 : i32
      %mul3A_144 = arith.constant 128 : i32
      %mul3A_145 = arith.muli %select_n3A_127, %mul3A_144 : i32
      %scan3A_146 = arith.constant 0 : i32
      %scan3A_147 = arith.constant 0 : i32
      %scan3A_148 = arith.constant 8 : i32
      %scan3A_149 = arith.addi %scan3A_147, %scan3A_148 : i32
      %scan3A_150 = arith.constant 1 : i32
      scf.for %scan3A_155 = %scan3A_147 to %scan3A_149 step %scan3A_150  : i32 {
        %mul3A_156 = arith.constant 128 : i32
        %mul3A_157 = arith.muli %scan3A_155, %mul3A_156 : i32
        %add3A_158 = arith.addi %mul3A_2, %mul3A_145 : i32
        %mul3A_159 = arith.constant 16 : i32
        %mul3A_160 = arith.muli %scan3A_155, %mul3A_159 : i32
        "tpu.region"() ({
          %run_scoped3A = tpu.sem_alloc : memref<!tpu.dma_semaphore, #tpu.memory_space<semaphore_mem>>
          %dma_start3A_161 = arith.constant 0 : i32
          %dma_start3A_162 = tpu.memref_slice %arg8[%mul3A_157, %dma_start3A_161] : memref<1024x16xf32, #tpu.memory_space<vmem>> -> memref<128x16xf32, #tpu.memory_space<vmem>>
          %dma_start3A_163 = tpu.memref_slice %arg4[%select_n3A_143, %add3A_158, %mul3A_160] : memref<4x16384x128xf32, #tpu.memory_space<hbm>> -> memref<1x128x16xf32, #tpu.memory_space<hbm>>
          %dma_start3A_164 = tpu.memref_squeeze %dma_start3A_163 : memref<1x128x16xf32, #tpu.memory_space<hbm>> -> memref<128x16xf32, #tpu.memory_space<hbm>>
          %dma_start3A_165 = tpu.memref_slice %arg4[%select_n3A_143, %add3A_158, %mul3A_160] : memref<4x16384x128xf32, #tpu.memory_space<hbm>> -> memref<1x128x16xf32, #tpu.memory_space<hbm>>
          %dma_start3A_166 = tpu.memref_squeeze %dma_start3A_165 : memref<1x128x16xf32, #tpu.memory_space<hbm>> -> memref<128x16xf32, #tpu.memory_space<hbm>>
          %dma_start3A_167 = arith.constant 0 : i32
          %dma_start3A_168 = tpu.memref_slice %arg8[%mul3A_157, %dma_start3A_167] : memref<1024x16xf32, #tpu.memory_space<vmem>> -> memref<128x16xf32, #tpu.memory_space<vmem>>
          tpu.enqueue_dma source(%dma_start3A_168 : memref<128x16xf32, #tpu.memory_space<vmem>>) target(%dma_start3A_166 : memref<128x16xf32, #tpu.memory_space<hbm>>) target_semaphore(%run_scoped3A : memref<!tpu.dma_semaphore, #tpu.memory_space<semaphore_mem>>)
          %dma_wait3A_169 = arith.constant 0 : i32
          %dma_wait3A_170 = tpu.memref_slice %arg8[%mul3A_157, %dma_wait3A_169] : memref<1024x16xf32, #tpu.memory_space<vmem>> -> memref<128x16xf32, #tpu.memory_space<vmem>>
          %dma_wait3A_171 = tpu.memref_slice %arg4[%select_n3A_143, %add3A_158, %mul3A_160] : memref<4x16384x128xf32, #tpu.memory_space<hbm>> -> memref<1x128x16xf32, #tpu.memory_space<hbm>>
          %dma_wait3A_172 = tpu.memref_squeeze %dma_wait3A_171 : memref<1x128x16xf32, #tpu.memory_space<hbm>> -> memref<128x16xf32, #tpu.memory_space<hbm>>
          %dma_wait3A_173 = tpu.memref_slice %arg4[%select_n3A_143, %add3A_158, %mul3A_160] : memref<4x16384x128xf32, #tpu.memory_space<hbm>> -> memref<1x128x16xf32, #tpu.memory_space<hbm>>
          %dma_wait3A_174 = tpu.memref_squeeze %dma_wait3A_173 : memref<1x128x16xf32, #tpu.memory_space<hbm>> -> memref<128x16xf32, #tpu.memory_space<hbm>>
          %dma_wait3A_175 = arith.constant 0 : i32
          %dma_wait3A_176 = tpu.memref_slice %arg8[%mul3A_157, %dma_wait3A_175] : memref<1024x16xf32, #tpu.memory_space<vmem>> -> memref<128x16xf32, #tpu.memory_space<vmem>>
          tpu.wait_dma2 semaphore(%run_scoped3A : memref<!tpu.dma_semaphore, #tpu.memory_space<semaphore_mem>>) src(%dma_wait3A_176 : memref<128x16xf32, #tpu.memory_space<vmem>>) dst(%dma_wait3A_174 : memref<128x16xf32, #tpu.memory_space<hbm>>)
          tpu.yield
        }) : () -> ()
      }
      %scan3A_151 = arith.constant 8 : i32
      %dma_wait3A_152 = arith.constant 0 : i32
      %dma_wait3A_153 = arith.constant 0 : i32
      %dma_wait3A_154 = tpu.memref_slice %arg2[%dma_wait3A_152, %dma_wait3A_153] : memref<1000000x16xf32, #tpu.memory_space<hbm>> -> memref<1000000x16xf32, #tpu.memory_space<hbm>>
      tpu.wait_indirect_dma semaphore(%arg9 : memref<!tpu.dma_semaphore, #tpu.memory_space<semaphore_mem>>) src(%dma_wait3A_154 : memref<1000000x16xf32, #tpu.memory_space<hbm>>) dst(%arg7 : memref<1024x16xf32, #tpu.memory_space<vmem>>)
    }
    %scan3A_15 = arith.constant 7 : i32
    %mul3A_16 = arith.constant 16384 : i32
    %mul3A_17 = arith.muli %add3A, %mul3A_16 : i32
    %add3A_18 = arith.constant 15360 : i32
    %add3A_19 = arith.addi %mul3A_17, %add3A_18 : i32
    "tpu.region"() ({
      %run_scoped3A = tpu.sem_alloc : memref<!tpu.dma_semaphore, #tpu.memory_space<semaphore_mem>>
      %dma_start3A_38 = tpu.memref_slice %arg3[%add3A_19] : memref<524288xi32, #tpu.memory_space<hbm>> -> memref<1024xi32, #tpu.memory_space<hbm>>
      %dma_start3A_39 = tpu.memref_slice %arg3[%add3A_19] : memref<524288xi32, #tpu.memory_space<hbm>> -> memref<1024xi32, #tpu.memory_space<hbm>>
      tpu.enqueue_dma source(%dma_start3A_39 : memref<1024xi32, #tpu.memory_space<hbm>>) target(%arg6 : memref<1024xi32, #tpu.memory_space<vmem>>) target_semaphore(%run_scoped3A : memref<!tpu.dma_semaphore, #tpu.memory_space<semaphore_mem>>)
      %dma_wait3A_40 = tpu.memref_slice %arg3[%add3A_19] : memref<524288xi32, #tpu.memory_space<hbm>> -> memref<1024xi32, #tpu.memory_space<hbm>>
      %dma_wait3A_41 = tpu.memref_slice %arg3[%add3A_19] : memref<524288xi32, #tpu.memory_space<hbm>> -> memref<1024xi32, #tpu.memory_space<hbm>>
      tpu.wait_dma2 semaphore(%run_scoped3A : memref<!tpu.dma_semaphore, #tpu.memory_space<semaphore_mem>>) src(%dma_wait3A_41 : memref<1024xi32, #tpu.memory_space<hbm>>) dst(%arg6 : memref<1024xi32, #tpu.memory_space<vmem>>)
      tpu.yield
    }) : () -> ()
    %dma_start3A_20 = arith.constant 0 : i32
    %dma_start3A_21 = arith.constant 0 : i32
    %dma_start3A_22 = tpu.memref_slice %arg2[%dma_start3A_20, %dma_start3A_21] : memref<1000000x16xf32, #tpu.memory_space<hbm>> -> memref<1000000x16xf32, #tpu.memory_space<hbm>>
    tpu.enqueue_indirect_dma source(%dma_start3A_22 : memref<1000000x16xf32, #tpu.memory_space<hbm>>) target(%arg8 : memref<1024x16xf32, #tpu.memory_space<vmem>>) offsets(%arg6 : memref<1024xi32, #tpu.memory_space<vmem>>) semaphore(%arg10 : memref<!tpu.dma_semaphore, #tpu.memory_space<semaphore_mem>>)
    %scan3A_23 = arith.constant 0 : i32
    %scan3A_24 = arith.constant 0 : i32
    %scan3A_25 = arith.constant 8 : i32
    %scan3A_26 = arith.addi %scan3A_24, %scan3A_25 : i32
    %scan3A_27 = arith.constant 1 : i32
    scf.for %scan3A_38 = %scan3A_24 to %scan3A_26 step %scan3A_27  : i32 {
      %mul3A_39 = arith.constant 128 : i32
      %mul3A_40 = arith.muli %scan3A_38, %mul3A_39 : i32
      %add3A_41 = arith.constant 384 : i32
      %add3A_42 = arith.addi %mul3A_2, %add3A_41 : i32
      %mul3A_43 = arith.constant 16 : i32
      %mul3A_44 = arith.muli %scan3A_38, %mul3A_43 : i32
      %run_scoped3A = arith.constant 2 : i32
      "tpu.region"() ({
        %run_scoped3A_45 = tpu.sem_alloc : memref<!tpu.dma_semaphore, #tpu.memory_space<semaphore_mem>>
        %dma_start3A_46 = arith.constant 0 : i32
        %dma_start3A_47 = tpu.memref_slice %arg7[%mul3A_40, %dma_start3A_46] : memref<1024x16xf32, #tpu.memory_space<vmem>> -> memref<128x16xf32, #tpu.memory_space<vmem>>
        %dma_start3A_48 = tpu.memref_slice %arg4[%run_scoped3A, %add3A_42, %mul3A_44] : memref<4x16384x128xf32, #tpu.memory_space<hbm>> -> memref<1x128x16xf32, #tpu.memory_space<hbm>>
        %dma_start3A_49 = tpu.memref_squeeze %dma_start3A_48 : memref<1x128x16xf32, #tpu.memory_space<hbm>> -> memref<128x16xf32, #tpu.memory_space<hbm>>
        %dma_start3A_50 = tpu.memref_slice %arg4[%run_scoped3A, %add3A_42, %mul3A_44] : memref<4x16384x128xf32, #tpu.memory_space<hbm>> -> memref<1x128x16xf32, #tpu.memory_space<hbm>>
        %dma_start3A_51 = tpu.memref_squeeze %dma_start3A_50 : memref<1x128x16xf32, #tpu.memory_space<hbm>> -> memref<128x16xf32, #tpu.memory_space<hbm>>
        %dma_start3A_52 = arith.constant 0 : i32
        %dma_start3A_53 = tpu.memref_slice %arg7[%mul3A_40, %dma_start3A_52] : memref<1024x16xf32, #tpu.memory_space<vmem>> -> memref<128x16xf32, #tpu.memory_space<vmem>>
        tpu.enqueue_dma source(%dma_start3A_53 : memref<128x16xf32, #tpu.memory_space<vmem>>) target(%dma_start3A_51 : memref<128x16xf32, #tpu.memory_space<hbm>>) target_semaphore(%run_scoped3A_45 : memref<!tpu.dma_semaphore, #tpu.memory_space<semaphore_mem>>)
        %dma_wait3A_54 = arith.constant 0 : i32
        %dma_wait3A_55 = tpu.memref_slice %arg7[%mul3A_40, %dma_wait3A_54] : memref<1024x16xf32, #tpu.memory_space<vmem>> -> memref<128x16xf32, #tpu.memory_space<vmem>>
        %dma_wait3A_56 = tpu.memref_slice %arg4[%run_scoped3A, %add3A_42, %mul3A_44] : memref<4x16384x128xf32, #tpu.memory_space<hbm>> -> memref<1x128x16xf32, #tpu.memory_space<hbm>>
        %dma_wait3A_57 = tpu.memref_squeeze %dma_wait3A_56 : memref<1x128x16xf32, #tpu.memory_space<hbm>> -> memref<128x16xf32, #tpu.memory_space<hbm>>
        %dma_wait3A_58 = tpu.memref_slice %arg4[%run_scoped3A, %add3A_42, %mul3A_44] : memref<4x16384x128xf32, #tpu.memory_space<hbm>> -> memref<1x128x16xf32, #tpu.memory_space<hbm>>
        %dma_wait3A_59 = tpu.memref_squeeze %dma_wait3A_58 : memref<1x128x16xf32, #tpu.memory_space<hbm>> -> memref<128x16xf32, #tpu.memory_space<hbm>>
        %dma_wait3A_60 = arith.constant 0 : i32
        %dma_wait3A_61 = tpu.memref_slice %arg7[%mul3A_40, %dma_wait3A_60] : memref<1024x16xf32, #tpu.memory_space<vmem>> -> memref<128x16xf32, #tpu.memory_space<vmem>>
        tpu.wait_dma2 semaphore(%run_scoped3A_45 : memref<!tpu.dma_semaphore, #tpu.memory_space<semaphore_mem>>) src(%dma_wait3A_61 : memref<128x16xf32, #tpu.memory_space<vmem>>) dst(%dma_wait3A_59 : memref<128x16xf32, #tpu.memory_space<hbm>>)
        tpu.yield
      }) : () -> ()
    }
    %scan3A_28 = arith.constant 8 : i32
    %dma_wait3A_29 = arith.constant 0 : i32
    %dma_wait3A_30 = arith.constant 0 : i32
    %dma_wait3A_31 = tpu.memref_slice %arg2[%dma_wait3A_29, %dma_wait3A_30] : memref<1000000x16xf32, #tpu.memory_space<hbm>> -> memref<1000000x16xf32, #tpu.memory_space<hbm>>
    tpu.wait_indirect_dma semaphore(%arg10 : memref<!tpu.dma_semaphore, #tpu.memory_space<semaphore_mem>>) src(%dma_wait3A_31 : memref<1000000x16xf32, #tpu.memory_space<hbm>>) dst(%arg8 : memref<1024x16xf32, #tpu.memory_space<vmem>>)
    %scan3A_32 = arith.constant 0 : i32
    %scan3A_33 = arith.constant 0 : i32
    %scan3A_34 = arith.constant 8 : i32
    %scan3A_35 = arith.addi %scan3A_33, %scan3A_34 : i32
    %scan3A_36 = arith.constant 1 : i32
    scf.for %scan3A_38 = %scan3A_33 to %scan3A_35 step %scan3A_36  : i32 {
      %mul3A_39 = arith.constant 128 : i32
      %mul3A_40 = arith.muli %scan3A_38, %mul3A_39 : i32
      %add3A_41 = arith.constant 384 : i32
      %add3A_42 = arith.addi %mul3A_2, %add3A_41 : i32
      %mul3A_43 = arith.constant 16 : i32
      %mul3A_44 = arith.muli %scan3A_38, %mul3A_43 : i32
      %run_scoped3A = arith.constant 3 : i32
      "tpu.region"() ({
        %run_scoped3A_45 = tpu.sem_alloc : memref<!tpu.dma_semaphore, #tpu.memory_space<semaphore_mem>>
        %dma_start3A_46 = arith.constant 0 : i32
        %dma_start3A_47 = tpu.memref_slice %arg8[%mul3A_40, %dma_start3A_46] : memref<1024x16xf32, #tpu.memory_space<vmem>> -> memref<128x16xf32, #tpu.memory_space<vmem>>
        %dma_start3A_48 = tpu.memref_slice %arg4[%run_scoped3A, %add3A_42, %mul3A_44] : memref<4x16384x128xf32, #tpu.memory_space<hbm>> -> memref<1x128x16xf32, #tpu.memory_space<hbm>>
        %dma_start3A_49 = tpu.memref_squeeze %dma_start3A_48 : memref<1x128x16xf32, #tpu.memory_space<hbm>> -> memref<128x16xf32, #tpu.memory_space<hbm>>
        %dma_start3A_50 = tpu.memref_slice %arg4[%run_scoped3A, %add3A_42, %mul3A_44] : memref<4x16384x128xf32, #tpu.memory_space<hbm>> -> memref<1x128x16xf32, #tpu.memory_space<hbm>>
        %dma_start3A_51 = tpu.memref_squeeze %dma_start3A_50 : memref<1x128x16xf32, #tpu.memory_space<hbm>> -> memref<128x16xf32, #tpu.memory_space<hbm>>
        %dma_start3A_52 = arith.constant 0 : i32
        %dma_start3A_53 = tpu.memref_slice %arg8[%mul3A_40, %dma_start3A_52] : memref<1024x16xf32, #tpu.memory_space<vmem>> -> memref<128x16xf32, #tpu.memory_space<vmem>>
        tpu.enqueue_dma source(%dma_start3A_53 : memref<128x16xf32, #tpu.memory_space<vmem>>) target(%dma_start3A_51 : memref<128x16xf32, #tpu.memory_space<hbm>>) target_semaphore(%run_scoped3A_45 : memref<!tpu.dma_semaphore, #tpu.memory_space<semaphore_mem>>)
        %dma_wait3A_54 = arith.constant 0 : i32
        %dma_wait3A_55 = tpu.memref_slice %arg8[%mul3A_40, %dma_wait3A_54] : memref<1024x16xf32, #tpu.memory_space<vmem>> -> memref<128x16xf32, #tpu.memory_space<vmem>>
        %dma_wait3A_56 = tpu.memref_slice %arg4[%run_scoped3A, %add3A_42, %mul3A_44] : memref<4x16384x128xf32, #tpu.memory_space<hbm>> -> memref<1x128x16xf32, #tpu.memory_space<hbm>>
        %dma_wait3A_57 = tpu.memref_squeeze %dma_wait3A_56 : memref<1x128x16xf32, #tpu.memory_space<hbm>> -> memref<128x16xf32, #tpu.memory_space<hbm>>
        %dma_wait3A_58 = tpu.memref_slice %arg4[%run_scoped3A, %add3A_42, %mul3A_44] : memref<4x16384x128xf32, #tpu.memory_space<hbm>> -> memref<1x128x16xf32, #tpu.memory_space<hbm>>
        %dma_wait3A_59 = tpu.memref_squeeze %dma_wait3A_58 : memref<1x128x16xf32, #tpu.memory_space<hbm>> -> memref<128x16xf32, #tpu.memory_space<hbm>>
        %dma_wait3A_60 = arith.constant 0 : i32
        %dma_wait3A_61 = tpu.memref_slice %arg8[%mul3A_40, %dma_wait3A_60] : memref<1024x16xf32, #tpu.memory_space<vmem>> -> memref<128x16xf32, #tpu.memory_space<vmem>>
        tpu.wait_dma2 semaphore(%run_scoped3A_45 : memref<!tpu.dma_semaphore, #tpu.memory_space<semaphore_mem>>) src(%dma_wait3A_61 : memref<128x16xf32, #tpu.memory_space<vmem>>) dst(%dma_wait3A_59 : memref<128x16xf32, #tpu.memory_space<hbm>>)
        tpu.yield
      }) : () -> ()
    }
    %scan3A_37 = arith.constant 8 : i32
    return
  }
}

#map = affine_map<(d0, d1) -> (0)>
#map1 = affine_map<(d0, d1) -> (0, 0)>
module attributes {stable_mosaic.version = 14 : i64} {
  func.func @_sc_prep_body(%arg0: i32, %arg1: i32, %arg2: memref<1000000xf32, #tpu.memory_space<hbm>>, %arg3: memref<16384x32xf32, #tpu.memory_space<hbm>>, %arg4: memref<16384x32xf32, #tpu.memory_space<hbm>>, %arg5: memref<524288xi32, #tpu.memory_space<hbm>>, %arg6: memref<16384xf32, #tpu.memory_space<hbm>>, %arg7: memref<512x32xf32, #tpu.memory_space<vmem>>, %arg8: memref<512x32xf32, #tpu.memory_space<vmem>>, %arg9: memref<1024xi32, #tpu.memory_space<vmem>>, %arg10: memref<1024xf32, #tpu.memory_space<vmem>>, %arg11: memref<512xf32, #tpu.memory_space<vmem>>, %arg12: memref<!tpu.dma_semaphore, #tpu.memory_space<semaphore_mem>>) attributes {dimension_semantics = [#tpu.dimension_semantics<core_parallel>, #tpu.dimension_semantics<subcore_parallel>], iteration_bounds = array<i64: 2, 16>, scalar_prefetch = 0 : i64, scratch_operands = 6 : i64, tpu.core_type = #tpu.core_type<sc_vector_subcore>, window_params = [{transform_indices = #map}, {transform_indices = #map1}, {transform_indices = #map1}, {transform_indices = #map}, {transform_indices = #map}]} {
    %mul3A = arith.constant 2 : i32
    %mul3A_0 = arith.muli %arg1, %mul3A : i32
    %add3A = arith.addi %mul3A_0, %arg0 : i32
    %mul3A_1 = arith.constant 512 : i32
    %mul3A_2 = arith.muli %add3A, %mul3A_1 : i32
    %iota3A = tpu.iota {dimensions = array<i32: 0>} : vector<16xi32>
    "tpu.region"() ({
      %run_scoped3A = tpu.sem_alloc : memref<!tpu.dma_semaphore, #tpu.memory_space<semaphore_mem>>
      %dma_start3A = arith.constant 0 : i32
      %dma_start3A_14 = tpu.memref_slice %arg3[%mul3A_2, %dma_start3A] : memref<16384x32xf32, #tpu.memory_space<hbm>> -> memref<512x32xf32, #tpu.memory_space<hbm>>
      %dma_start3A_15 = arith.constant 0 : i32
      %dma_start3A_16 = tpu.memref_slice %arg3[%mul3A_2, %dma_start3A_15] : memref<16384x32xf32, #tpu.memory_space<hbm>> -> memref<512x32xf32, #tpu.memory_space<hbm>>
      tpu.enqueue_dma source(%dma_start3A_16 : memref<512x32xf32, #tpu.memory_space<hbm>>) target(%arg7 : memref<512x32xf32, #tpu.memory_space<vmem>>) target_semaphore(%run_scoped3A : memref<!tpu.dma_semaphore, #tpu.memory_space<semaphore_mem>>)
      %dma_wait3A = arith.constant 0 : i32
      %dma_wait3A_17 = tpu.memref_slice %arg3[%mul3A_2, %dma_wait3A] : memref<16384x32xf32, #tpu.memory_space<hbm>> -> memref<512x32xf32, #tpu.memory_space<hbm>>
      %dma_wait3A_18 = arith.constant 0 : i32
      %dma_wait3A_19 = tpu.memref_slice %arg3[%mul3A_2, %dma_wait3A_18] : memref<16384x32xf32, #tpu.memory_space<hbm>> -> memref<512x32xf32, #tpu.memory_space<hbm>>
      tpu.wait_dma2 semaphore(%run_scoped3A : memref<!tpu.dma_semaphore, #tpu.memory_space<semaphore_mem>>) src(%dma_wait3A_19 : memref<512x32xf32, #tpu.memory_space<hbm>>) dst(%arg7 : memref<512x32xf32, #tpu.memory_space<vmem>>)
      tpu.yield
    }) : () -> ()
    "tpu.region"() ({
      %run_scoped3A = tpu.sem_alloc : memref<!tpu.dma_semaphore, #tpu.memory_space<semaphore_mem>>
      %dma_start3A = arith.constant 0 : i32
      %dma_start3A_14 = tpu.memref_slice %arg4[%mul3A_2, %dma_start3A] : memref<16384x32xf32, #tpu.memory_space<hbm>> -> memref<512x32xf32, #tpu.memory_space<hbm>>
      %dma_start3A_15 = arith.constant 0 : i32
      %dma_start3A_16 = tpu.memref_slice %arg4[%mul3A_2, %dma_start3A_15] : memref<16384x32xf32, #tpu.memory_space<hbm>> -> memref<512x32xf32, #tpu.memory_space<hbm>>
      tpu.enqueue_dma source(%dma_start3A_16 : memref<512x32xf32, #tpu.memory_space<hbm>>) target(%arg8 : memref<512x32xf32, #tpu.memory_space<vmem>>) target_semaphore(%run_scoped3A : memref<!tpu.dma_semaphore, #tpu.memory_space<semaphore_mem>>)
      %dma_wait3A = arith.constant 0 : i32
      %dma_wait3A_17 = tpu.memref_slice %arg4[%mul3A_2, %dma_wait3A] : memref<16384x32xf32, #tpu.memory_space<hbm>> -> memref<512x32xf32, #tpu.memory_space<hbm>>
      %dma_wait3A_18 = arith.constant 0 : i32
      %dma_wait3A_19 = tpu.memref_slice %arg4[%mul3A_2, %dma_wait3A_18] : memref<16384x32xf32, #tpu.memory_space<hbm>> -> memref<512x32xf32, #tpu.memory_space<hbm>>
      tpu.wait_dma2 semaphore(%run_scoped3A : memref<!tpu.dma_semaphore, #tpu.memory_space<semaphore_mem>>) src(%dma_wait3A_19 : memref<512x32xf32, #tpu.memory_space<hbm>>) dst(%arg8 : memref<512x32xf32, #tpu.memory_space<vmem>>)
      tpu.yield
    }) : () -> ()
    %scan3A = arith.constant 0 : i32
    %scan3A_3 = arith.constant 0 : i32
    %scan3A_4 = arith.constant 32 : i32
    %scan3A_5 = arith.addi %scan3A_3, %scan3A_4 : i32
    %scan3A_6 = arith.constant 1 : i32
    scf.for %scan3A_14 = %scan3A_3 to %scan3A_5 step %scan3A_6  : i32 {
      %broadcast_in_dim3A = arith.constant 0.000000e+00 : f32
      %broadcast_in_dim3A_15 = vector.broadcast %broadcast_in_dim3A : f32 to vector<16xf32>
      %mul3A_16 = arith.constant 16 : i32
      %mul3A_17 = arith.muli %scan3A_14, %mul3A_16 : i32
      %swap3A = arith.index_cast %mul3A_17 : i32 to index
      %swap3A_18 = tpu.vector_load %arg11[%swap3A] {strides = array<i32>} : memref<512xf32, #tpu.memory_space<vmem>>, vector<16xf32>,
      tpu.vector_store %arg11[%swap3A], %broadcast_in_dim3A_15 {strides = array<i32>} : memref<512xf32, #tpu.memory_space<vmem>>, vector<16xf32>,
    }
    %scan3A_7 = arith.constant 32 : i32
    %scan3A_8 = arith.constant 0 : i32
    %scan3A_9 = arith.constant 0 : i32
    %scan3A_10 = arith.constant 16 : i32
    %scan3A_11 = arith.addi %scan3A_9, %scan3A_10 : i32
    %scan3A_12 = arith.constant 1 : i32
    scf.for %scan3A_14 = %scan3A_9 to %scan3A_11 step %scan3A_12  : i32 {
      %jit3A = arith.constant 4 : i32
      %div3A = arith.divsi %scan3A_14, %jit3A : i32
      %sign3A = arith.constant 0 : i32
      %sign3A_15 = arith.cmpi sgt, %scan3A_14, %sign3A : i32
      %sign3A_16 = arith.extui %sign3A_15 : i1 to i32
      %sign3A_17 = arith.constant 0 : i32
      %sign3A_18 = arith.cmpi slt, %scan3A_14, %sign3A_17 : i32
      %sign3A_19 = arith.extui %sign3A_18 : i1 to i32
      %sign3A_20 = arith.subi %sign3A_16, %sign3A_19 : i32
      %sign3A_21 = arith.constant 0 : i32
      %sign3A_22 = arith.cmpi sgt, %jit3A, %sign3A_21 : i32
      %sign3A_23 = arith.extui %sign3A_22 : i1 to i32
      %sign3A_24 = arith.constant 0 : i32
      %sign3A_25 = arith.cmpi slt, %jit3A, %sign3A_24 : i32
      %sign3A_26 = arith.extui %sign3A_25 : i1 to i32
      %sign3A_27 = arith.subi %sign3A_23, %sign3A_26 : i32
      %ne3A = arith.cmpi ne, %sign3A_20, %sign3A_27 : i32
      %rem3A = arith.remsi %scan3A_14, %jit3A : i32
      %ne3A_28 = arith.constant 0 : i32
      %ne3A_29 = arith.cmpi ne, %rem3A, %ne3A_28 : i32
      %and3A = arith.andi %ne3A, %ne3A_29 : i1
      %sub3A = arith.constant 1 : i32
      %sub3A_30 = arith.subi %div3A, %sub3A : i32
      %select_n3A = arith.select %and3A, %sub3A_30, %div3A : i32
      %jit3A_31 = arith.constant 4 : i32
      %eq3A = arith.constant 0 : i32
      %eq3A_32 = arith.cmpi eq, %jit3A_31, %eq3A : i32
      %jit3A_33 = arith.constant 1 : i32
      %select_n3A_34 = arith.select %eq3A_32, %jit3A_33, %jit3A_31 : i32
      %rem3A_35 = arith.remsi %scan3A_14, %select_n3A_34 : i32
      %ne3A_36 = arith.constant 0 : i32
      %ne3A_37 = arith.cmpi ne, %rem3A_35, %ne3A_36 : i32
      %lt3A = arith.constant 0 : i32
      %lt3A_38 = arith.cmpi slt, %rem3A_35, %lt3A : i32
      %lt3A_39 = arith.constant 0 : i32
      %lt3A_40 = arith.cmpi slt, %select_n3A_34, %lt3A_39 : i32
      %ne3A_41 = arith.xori %lt3A_38, %lt3A_40 : i1
      %and3A_42 = arith.andi %ne3A_41, %ne3A_37 : i1
      %add3A_43 = arith.addi %rem3A_35, %select_n3A_34 : i32
      %select_n3A_44 = arith.select %and3A_42, %add3A_43, %rem3A_35 : i32
      %mul3A_45 = arith.constant 128 : i32
      %mul3A_46 = arith.muli %select_n3A, %mul3A_45 : i32
      %scan3A_47 = arith.constant 0 : i32
      %scan3A_48 = arith.constant 0 : i32
      %scan3A_49 = arith.constant 64 : i32
      %scan3A_50 = arith.addi %scan3A_48, %scan3A_49 : i32
      %scan3A_51 = arith.constant 1 : i32
      scf.for %scan3A_74 = %scan3A_48 to %scan3A_50 step %scan3A_51  : i32 {
        %mul3A_75 = arith.constant 16 : i32
        %mul3A_76 = arith.muli %scan3A_74, %mul3A_75 : i32
        %add3A_77 = vector.broadcast %mul3A_76 : i32 to vector<16xi32>
        %add3A_78 = arith.addi %add3A_77, %iota3A : vector<16xi32>
        %jit3A_79 = arith.constant 128 : i32
        %div3A_80 = vector.broadcast %jit3A_79 : i32 to vector<16xi32>
        %div3A_81 = arith.divsi %add3A_78, %div3A_80 : vector<16xi32>
        %sign3A_82 = arith.constant 0 : i32
        %sign3A_83 = vector.broadcast %sign3A_82 : i32 to vector<16xi32>
        %sign3A_84 = arith.cmpi sgt, %add3A_78, %sign3A_83 : vector<16xi32>
        %sign3A_85 = arith.extui %sign3A_84 : vector<16xi1> to vector<16xi32>
        %sign3A_86 = arith.constant 0 : i32
        %sign3A_87 = vector.broadcast %sign3A_86 : i32 to vector<16xi32>
        %sign3A_88 = arith.cmpi slt, %add3A_78, %sign3A_87 : vector<16xi32>
        %sign3A_89 = arith.extui %sign3A_88 : vector<16xi1> to vector<16xi32>
        %sign3A_90 = arith.subi %sign3A_85, %sign3A_89 : vector<16xi32>
        %sign3A_91 = arith.constant 0 : i32
        %sign3A_92 = arith.cmpi sgt, %jit3A_79, %sign3A_91 : i32
        %sign3A_93 = arith.extui %sign3A_92 : i1 to i32
        %sign3A_94 = arith.constant 0 : i32
        %sign3A_95 = arith.cmpi slt, %jit3A_79, %sign3A_94 : i32
        %sign3A_96 = arith.extui %sign3A_95 : i1 to i32
        %sign3A_97 = arith.subi %sign3A_93, %sign3A_96 : i32
        %ne3A_98 = vector.broadcast %sign3A_97 : i32 to vector<16xi32>
        %ne3A_99 = arith.cmpi ne, %sign3A_90, %ne3A_98 : vector<16xi32>
        %rem3A_100 = vector.broadcast %jit3A_79 : i32 to vector<16xi32>
        %rem3A_101 = arith.remsi %add3A_78, %rem3A_100 : vector<16xi32>
        %ne3A_102 = arith.constant 0 : i32
        %ne3A_103 = vector.broadcast %ne3A_102 : i32 to vector<16xi32>
        %ne3A_104 = arith.cmpi ne, %rem3A_101, %ne3A_103 : vector<16xi32>
        %and3A_105 = arith.andi %ne3A_99, %ne3A_104 : vector<16xi1>
        %sub3A_106 = arith.constant 1 : i32
        %sub3A_107 = vector.broadcast %sub3A_106 : i32 to vector<16xi32>
        %sub3A_108 = arith.subi %div3A_81, %sub3A_107 : vector<16xi32>
        %select_n3A_109 = arith.select %and3A_105, %sub3A_108, %div3A_81 : vector<16xi1>, vector<16xi32>
        %jit3A_110 = arith.constant 128 : i32
        %eq3A_111 = arith.constant 0 : i32
        %eq3A_112 = arith.cmpi eq, %jit3A_110, %eq3A_111 : i32
        %jit3A_113 = arith.constant 1 : i32
        %select_n3A_114 = arith.select %eq3A_112, %jit3A_113, %jit3A_110 : i32
        %rem3A_115 = vector.broadcast %select_n3A_114 : i32 to vector<16xi32>
        %rem3A_116 = arith.remsi %add3A_78, %rem3A_115 : vector<16xi32>
        %ne3A_117 = arith.constant 0 : i32
        %ne3A_118 = vector.broadcast %ne3A_117 : i32 to vector<16xi32>
        %ne3A_119 = arith.cmpi ne, %rem3A_116, %ne3A_118 : vector<16xi32>
        %lt3A_120 = arith.constant 0 : i32
        %lt3A_121 = vector.broadcast %lt3A_120 : i32 to vector<16xi32>
        %lt3A_122 = arith.cmpi slt, %rem3A_116, %lt3A_121 : vector<16xi32>
        %lt3A_123 = arith.constant 0 : i32
        %lt3A_124 = arith.cmpi slt, %select_n3A_114, %lt3A_123 : i32
        %ne3A_125 = vector.broadcast %lt3A_124 : i1 to vector<16xi1>
        %ne3A_126 = vector.broadcast %ne3A_125 : vector<16xi1> to vector<16xi1>
        %ne3A_127 = arith.xori %lt3A_122, %ne3A_126 : vector<16xi1>
        %and3A_128 = arith.andi %ne3A_127, %ne3A_119 : vector<16xi1>
        %add3A_129 = vector.broadcast %select_n3A_114 : i32 to vector<16xi32>
        %add3A_130 = arith.addi %rem3A_116, %add3A_129 : vector<16xi32>
        %select_n3A_131 = arith.select %and3A_128, %add3A_130, %rem3A_116 : vector<16xi1>, vector<16xi32>
        %mul3A_132 = arith.constant 8 : i32
        %mul3A_133 = arith.muli %select_n3A_44, %mul3A_132 : i32
        %add3A_134 = vector.broadcast %mul3A_133 : i32 to vector<16xi32>
        %add3A_135 = arith.addi %add3A_134, %select_n3A_109 : vector<16xi32>
        %min3A = arith.constant 25 : i32
        %min3A_136 = vector.broadcast %min3A : i32 to vector<16xi32>
        %min3A_137 = arith.minsi %add3A_135, %min3A_136 : vector<16xi32>
        %add3A_138 = vector.broadcast %mul3A_46 : i32 to vector<16xi32>
        %add3A_139 = arith.addi %add3A_138, %select_n3A_131 : vector<16xi32>
        %gather3A = tpu.vector_load_idx %arg7[%add3A_139, %min3A_137] : memref<512x32xf32, #tpu.memory_space<vmem>>[vector<16xi32>, vector<16xi32>], vector<16xf32>,
        %bitcast3A = vector.bitcast %gather3A : vector<16xf32> to vector<16xi32>
        %mul3A_140 = arith.constant 16 : i32
        %mul3A_141 = arith.muli %scan3A_74, %mul3A_140 : i32
        %swap3A = arith.index_cast %mul3A_141 : i32 to index
        %swap3A_142 = tpu.vector_load %arg9[%swap3A] {strides = array<i32>} : memref<1024xi32, #tpu.memory_space<vmem>>, vector<16xi32>,
        tpu.vector_store %arg9[%swap3A], %bitcast3A {strides = array<i32>} : memref<1024xi32, #tpu.memory_space<vmem>>, vector<16xi32>,
      }
      %scan3A_52 = arith.constant 64 : i32
      %mul3A_53 = arith.constant 16384 : i32
      %mul3A_54 = arith.muli %add3A, %mul3A_53 : i32
      %mul3A_55 = arith.constant 1024 : i32
      %mul3A_56 = arith.muli %scan3A_14, %mul3A_55 : i32
      %add3A_57 = arith.addi %mul3A_54, %mul3A_56 : i32
      "tpu.region"() ({
        %run_scoped3A = tpu.sem_alloc : memref<!tpu.dma_semaphore, #tpu.memory_space<semaphore_mem>>
        %dma_start3A_74 = tpu.memref_slice %arg5[%add3A_57] : memref<524288xi32, #tpu.memory_space<hbm>> -> memref<1024xi32, #tpu.memory_space<hbm>>
        %dma_start3A_75 = tpu.memref_slice %arg5[%add3A_57] : memref<524288xi32, #tpu.memory_space<hbm>> -> memref<1024xi32, #tpu.memory_space<hbm>>
        tpu.enqueue_dma source(%arg9 : memref<1024xi32, #tpu.memory_space<vmem>>) target(%dma_start3A_75 : memref<1024xi32, #tpu.memory_space<hbm>>) target_semaphore(%run_scoped3A : memref<!tpu.dma_semaphore, #tpu.memory_space<semaphore_mem>>)
        %dma_wait3A_76 = tpu.memref_slice %arg5[%add3A_57] : memref<524288xi32, #tpu.memory_space<hbm>> -> memref<1024xi32, #tpu.memory_space<hbm>>
        %dma_wait3A_77 = tpu.memref_slice %arg5[%add3A_57] : memref<524288xi32, #tpu.memory_space<hbm>> -> memref<1024xi32, #tpu.memory_space<hbm>>
        tpu.wait_dma2 semaphore(%run_scoped3A : memref<!tpu.dma_semaphore, #tpu.memory_space<semaphore_mem>>) src(%arg9 : memref<1024xi32, #tpu.memory_space<vmem>>) dst(%dma_wait3A_77 : memref<1024xi32, #tpu.memory_space<hbm>>)
        tpu.yield
      }) : () -> ()
      %dma_start3A = arith.constant 0 : i32
      %dma_start3A_58 = tpu.memref_slice %arg2[%dma_start3A] : memref<1000000xf32, #tpu.memory_space<hbm>> -> memref<1000000xf32, #tpu.memory_space<hbm>>
      tpu.enqueue_indirect_dma source(%dma_start3A_58 : memref<1000000xf32, #tpu.memory_space<hbm>>) target(%arg10 : memref<1024xf32, #tpu.memory_space<vmem>>) offsets(%arg9 : memref<1024xi32, #tpu.memory_space<vmem>>) semaphore(%arg12 : memref<!tpu.dma_semaphore, #tpu.memory_space<semaphore_mem>>)
      %dma_wait3A = arith.constant 0 : i32
      %dma_wait3A_59 = tpu.memref_slice %arg2[%dma_wait3A] : memref<1000000xf32, #tpu.memory_space<hbm>> -> memref<1000000xf32, #tpu.memory_space<hbm>>
      tpu.wait_indirect_dma semaphore(%arg12 : memref<!tpu.dma_semaphore, #tpu.memory_space<semaphore_mem>>) src(%dma_wait3A_59 : memref<1000000xf32, #tpu.memory_space<hbm>>) dst(%arg10 : memref<1024xf32, #tpu.memory_space<vmem>>)
      %eq3A_60 = arith.constant 3 : i32
      %eq3A_61 = arith.cmpi eq, %select_n3A_44, %eq3A_60 : i32
      %jit3A_62 = arith.constant 2 : i32
      %jit3A_63 = arith.constant 8 : i32
      %select_n3A_64 = arith.select %eq3A_61, %jit3A_62, %jit3A_63 : i32
      %while3A = arith.constant 0 : i32
      %while3A_65 = arith.constant 0 : i32
      %while3A_66 = arith.subi %select_n3A_64, %while3A_65 : i32
      %while3A_67 = arith.addi %while3A_65, %while3A_66 : i32
      %while3A_68 = arith.constant 1 : i32
      %while3A_69 = arith.divsi %while3A_66, %while3A_68 : i32
      %while3A_70 = arith.muli %while3A_69, %while3A_68 : i32
      %while3A_71 = arith.addi %while3A_65, %while3A_70 : i32
      %while3A_72 = arith.constant 1 : i32
      scf.for %while3A_74 = %while3A_65 to %while3A_71 step %while3A_72  : i32 {
        %scan3A_75 = arith.constant 0 : i32
        %scan3A_76 = arith.constant 0 : i32
        %scan3A_77 = arith.constant 8 : i32
        %scan3A_78 = arith.addi %scan3A_76, %scan3A_77 : i32
        %scan3A_79 = arith.constant 1 : i32
        scf.for %scan3A_81 = %scan3A_76 to %scan3A_78 step %scan3A_79  : i32 {
          %mul3A_82 = arith.constant 16 : i32
          %mul3A_83 = arith.muli %scan3A_81, %mul3A_82 : i32
          %add3A_84 = arith.addi %mul3A_46, %mul3A_83 : i32
          %add3A_85 = vector.broadcast %add3A_84 : i32 to vector<16xi32>
          %add3A_86 = arith.addi %add3A_85, %iota3A : vector<16xi32>
          %mul3A_87 = arith.constant 8 : i32
          %mul3A_88 = arith.muli %select_n3A_44, %mul3A_87 : i32
          %add3A_89 = arith.addi %mul3A_88, %while3A_74 : i32
          %broadcast_in_dim3A = vector.broadcast %add3A_89 : i32 to vector<16xi32>
          %gather3A = tpu.vector_load_idx %arg8[%add3A_86, %broadcast_in_dim3A] : memref<512x32xf32, #tpu.memory_space<vmem>>[vector<16xi32>, vector<16xi32>], vector<16xf32>,
          %mul3A_90 = arith.constant 16 : i32
          %mul3A_91 = arith.muli %scan3A_81, %mul3A_90 : i32
          %add3A_92 = arith.addi %mul3A_46, %mul3A_91 : i32
          %get3A = arith.index_cast %add3A_92 : i32 to index
          %get3A_93 = tpu.vector_load %arg11[%get3A] {strides = array<i32>} : memref<512xf32, #tpu.memory_space<vmem>>, vector<16xf32>,
          %mul3A_94 = arith.constant 128 : i32
          %mul3A_95 = arith.muli %while3A_74, %mul3A_94 : i32
          %mul3A_96 = arith.constant 16 : i32
          %mul3A_97 = arith.muli %scan3A_81, %mul3A_96 : i32
          %add3A_98 = arith.addi %mul3A_95, %mul3A_97 : i32
          %get3A_99 = arith.index_cast %add3A_98 : i32 to index
          %get3A_100 = tpu.vector_load %arg10[%get3A_99] {strides = array<i32>} : memref<1024xf32, #tpu.memory_space<vmem>>, vector<16xf32>,
          %mul3A_101 = arith.mulf %get3A_100, %gather3A : vector<16xf32>
          %add3A_102 = arith.addf %get3A_93, %mul3A_101 : vector<16xf32>
          %swap3A = arith.index_cast %add3A_92 : i32 to index
          %swap3A_103 = tpu.vector_load %arg11[%swap3A] {strides = array<i32>} : memref<512xf32, #tpu.memory_space<vmem>>, vector<16xf32>,
          tpu.vector_store %arg11[%swap3A], %add3A_102 {strides = array<i32>} : memref<512xf32, #tpu.memory_space<vmem>>, vector<16xf32>,
        }
        %scan3A_80 = arith.constant 8 : i32
      }
      %while3A_73 = arith.constant 1 : i32
      scf.for %while3A_74 = %while3A_71 to %while3A_67 step %while3A_73  : i32 {
        %scan3A_75 = arith.constant 0 : i32
        %scan3A_76 = arith.constant 0 : i32
        %scan3A_77 = arith.constant 8 : i32
        %scan3A_78 = arith.addi %scan3A_76, %scan3A_77 : i32
        %scan3A_79 = arith.constant 1 : i32
        scf.for %scan3A_81 = %scan3A_76 to %scan3A_78 step %scan3A_79  : i32 {
          %mul3A_82 = arith.constant 16 : i32
          %mul3A_83 = arith.muli %scan3A_81, %mul3A_82 : i32
          %add3A_84 = arith.addi %mul3A_46, %mul3A_83 : i32
          %add3A_85 = vector.broadcast %add3A_84 : i32 to vector<16xi32>
          %add3A_86 = arith.addi %add3A_85, %iota3A : vector<16xi32>
          %mul3A_87 = arith.constant 8 : i32
          %mul3A_88 = arith.muli %select_n3A_44, %mul3A_87 : i32
          %add3A_89 = arith.addi %mul3A_88, %while3A_74 : i32
          %broadcast_in_dim3A = vector.broadcast %add3A_89 : i32 to vector<16xi32>
          %gather3A = tpu.vector_load_idx %arg8[%add3A_86, %broadcast_in_dim3A] : memref<512x32xf32, #tpu.memory_space<vmem>>[vector<16xi32>, vector<16xi32>], vector<16xf32>,
          %mul3A_90 = arith.constant 16 : i32
          %mul3A_91 = arith.muli %scan3A_81, %mul3A_90 : i32
          %add3A_92 = arith.addi %mul3A_46, %mul3A_91 : i32
          %get3A = arith.index_cast %add3A_92 : i32 to index
          %get3A_93 = tpu.vector_load %arg11[%get3A] {strides = array<i32>} : memref<512xf32, #tpu.memory_space<vmem>>, vector<16xf32>,
          %mul3A_94 = arith.constant 128 : i32
          %mul3A_95 = arith.muli %while3A_74, %mul3A_94 : i32
          %mul3A_96 = arith.constant 16 : i32
          %mul3A_97 = arith.muli %scan3A_81, %mul3A_96 : i32
          %add3A_98 = arith.addi %mul3A_95, %mul3A_97 : i32
          %get3A_99 = arith.index_cast %add3A_98 : i32 to index
          %get3A_100 = tpu.vector_load %arg10[%get3A_99] {strides = array<i32>} : memref<1024xf32, #tpu.memory_space<vmem>>, vector<16xf32>,
          %mul3A_101 = arith.mulf %get3A_100, %gather3A : vector<16xf32>
          %add3A_102 = arith.addf %get3A_93, %mul3A_101 : vector<16xf32>
          %swap3A = arith.index_cast %add3A_92 : i32 to index
          %swap3A_103 = tpu.vector_load %arg11[%swap3A] {strides = array<i32>} : memref<512xf32, #tpu.memory_space<vmem>>, vector<16xf32>,
          tpu.vector_store %arg11[%swap3A], %add3A_102 {strides = array<i32>} : memref<512xf32, #tpu.memory_space<vmem>>, vector<16xf32>,
        }
        %scan3A_80 = arith.constant 8 : i32
      }
    }
    %scan3A_13 = arith.constant 16 : i32
    "tpu.region"() ({
      %run_scoped3A = tpu.sem_alloc : memref<!tpu.dma_semaphore, #tpu.memory_space<semaphore_mem>>
      %dma_start3A = tpu.memref_slice %arg6[%mul3A_2] : memref<16384xf32, #tpu.memory_space<hbm>> -> memref<512xf32, #tpu.memory_space<hbm>>
      %dma_start3A_14 = tpu.memref_slice %arg6[%mul3A_2] : memref<16384xf32, #tpu.memory_space<hbm>> -> memref<512xf32, #tpu.memory_space<hbm>>
      tpu.enqueue_dma source(%arg11 : memref<512xf32, #tpu.memory_space<vmem>>) target(%dma_start3A_14 : memref<512xf32, #tpu.memory_space<hbm>>) target_semaphore(%run_scoped3A : memref<!tpu.dma_semaphore, #tpu.memory_space<semaphore_mem>>)
      %dma_wait3A = tpu.memref_slice %arg6[%mul3A_2] : memref<16384xf32, #tpu.memory_space<hbm>> -> memref<512xf32, #tpu.memory_space<hbm>>
      %dma_wait3A_15 = tpu.memref_slice %arg6[%mul3A_2] : memref<16384xf32, #tpu.memory_space<hbm>> -> memref<512xf32, #tpu.memory_space<hbm>>
      tpu.wait_dma2 semaphore(%run_scoped3A : memref<!tpu.dma_semaphore, #tpu.memory_space<semaphore_mem>>) src(%arg11 : memref<512xf32, #tpu.memory_space<vmem>>) dst(%dma_wait3A_15 : memref<512xf32, #tpu.memory_space<hbm>>)
      tpu.yield
    }) : () -> ()
    return
  }
}

module attributes {stable_mosaic.version = 14 : i64} {
  func.func @_tc_body(%arg0: i32, %arg1: memref<3xf32, #tpu.memory_space<smem>>, %arg2: memref<4x256x128xf32, #tpu.memory_space<vmem>>, %arg3: memref<256x26xf32, #tpu.memory_space<vmem>>, %arg4: memref<26x512xf32, #tpu.memory_space<vmem>>, %arg5: memref<512x16xf32, #tpu.memory_space<vmem>>, %arg6: memref<512x256xf32, #tpu.memory_space<vmem>>, %arg7: memref<1x256xf32, #tpu.memory_space<vmem>>, %arg8: memref<256x128xf32, #tpu.memory_space<vmem>>, %arg9: memref<1x128xf32, #tpu.memory_space<vmem>>, %arg10: memref<128x1xf32, #tpu.memory_space<vmem>>, %arg11: memref<256x1xf32, #tpu.memory_space<vmem>>) attributes {dimension_semantics = [#tpu.dimension_semantics<arbitrary>], iteration_bounds = array<i64: 64>, scalar_prefetch = 0 : i64, scratch_operands = 0 : i64, tpu.core_type = #tpu.core_type<tc>, window_params = [{transform_indices = @transform_0, window_bounds = array<i64: 3>}, {transform_indices = @transform_1, window_bounds = array<i64: 4, 256, 128>}, {transform_indices = @transform_2, window_bounds = array<i64: 256, 26>}, {pipeline_mode = #tpu.pipeline_mode<synchronous>, transform_indices = @transform_3, window_bounds = array<i64: 26, 512>}, {pipeline_mode = #tpu.pipeline_mode<synchronous>, transform_indices = @transform_4, window_bounds = array<i64: 512, 16>}, {pipeline_mode = #tpu.pipeline_mode<synchronous>, transform_indices = @transform_5, window_bounds = array<i64: 512, 256>}, {pipeline_mode = #tpu.pipeline_mode<synchronous>, transform_indices = @transform_6, window_bounds = array<i64: 1, 256>}, {pipeline_mode = #tpu.pipeline_mode<synchronous>, transform_indices = @transform_7, window_bounds = array<i64: 256, 128>}, {pipeline_mode = #tpu.pipeline_mode<synchronous>, transform_indices = @transform_8, window_bounds = array<i64: 1, 128>}, {pipeline_mode = #tpu.pipeline_mode<synchronous>, transform_indices = @transform_9, window_bounds = array<i64: 128, 1>}, {transform_indices = @transform_10, window_bounds = array<i64: 256, 1>}]} {
    %get3A = arith.constant 0 : index
    %get3A_0 = arith.constant 0 : index
    %get3A_1 = vector.load %arg3[%get3A, %get3A_0] : memref<256x26xf32, #tpu.memory_space<vmem>>, vector<256x26xf32>
    %broadcast_in_dim3A = arith.constant 0.000000e+00 : f32
    %broadcast_in_dim3A_2 = vector.broadcast %broadcast_in_dim3A : f32 to vector<256x16xf32>
    %broadcast_in_dim3A_3 = arith.constant 0.000000e+00 : f32
    %broadcast_in_dim3A_4 = vector.broadcast %broadcast_in_dim3A_3 : f32 to vector<256x16xf32>
    %broadcast_in_dim3A_5 = arith.constant 0.000000e+00 : f32
    %broadcast_in_dim3A_6 = vector.broadcast %broadcast_in_dim3A_5 : f32 to vector<256x256xf32>
    %get3A_7 = arith.constant 0 : index
    %get3A_8 = arith.constant 0 : index
    %get3A_9 = arith.constant 0 : index
    %get3A_10 = vector.load %arg2[%get3A_7, %get3A_8, %get3A_9] : memref<4x256x128xf32, #tpu.memory_space<vmem>>, vector<1x256x128xf32>
    %get3A_11 = vector.shape_cast %get3A_10 : vector<1x256x128xf32> to vector<256x128xf32>
    %get3A_12 = arith.constant 0 : index
    %get3A_13 = arith.constant 0 : index
    %get3A_14 = vector.load %arg4[%get3A_12, %get3A_13] : memref<26x512xf32, #tpu.memory_space<vmem>>, vector<26x128xf32>
    %dot_general3A = arith.constant dense<0.000000e+00> : vector<256x128xf32>
    %dot_general3A_15 = tpu.matmul %get3A_1, %get3A_14, %dot_general3A {dimension_numbers = #tpu.dot_dimension_numbers<[1], [0], [0], [1], [0, 0, 1, 1], [], []>, transpose_lhs_hint = false} : vector<256x26xf32>, vector<26x128xf32>, vector<256x128xf32> -> vector<256x128xf32>
    %mul3A = arith.mulf %get3A_11, %dot_general3A_15 : vector<256x128xf32>
    %get3A_16 = arith.constant 0 : index
    %get3A_17 = arith.constant 0 : index
    %get3A_18 = vector.load %arg5[%get3A_16, %get3A_17] : memref<512x16xf32, #tpu.memory_space<vmem>>, vector<128x16xf32>
    %dot_general3A_19 = arith.constant dense<0.000000e+00> : vector<256x16xf32>
    %dot_general3A_20 = tpu.matmul %mul3A, %get3A_18, %dot_general3A_19 {dimension_numbers = #tpu.dot_dimension_numbers<[1], [0], [0], [1], [0, 0, 1, 1], [], []>, transpose_lhs_hint = false} : vector<256x128xf32>, vector<128x16xf32>, vector<256x16xf32> -> vector<256x16xf32>
    %add3A = arith.addf %broadcast_in_dim3A_2, %dot_general3A_20 : vector<256x16xf32>
    %mul3A_21 = arith.mulf %mul3A, %mul3A : vector<256x128xf32>
    %get3A_22 = arith.constant 0 : index
    %get3A_23 = arith.constant 0 : index
    %get3A_24 = vector.load %arg5[%get3A_22, %get3A_23] : memref<512x16xf32, #tpu.memory_space<vmem>>, vector<128x16xf32>
    %dot_general3A_25 = arith.constant dense<0.000000e+00> : vector<256x16xf32>
    %dot_general3A_26 = tpu.matmul %mul3A_21, %get3A_24, %dot_general3A_25 {dimension_numbers = #tpu.dot_dimension_numbers<[1], [0], [0], [1], [0, 0, 1, 1], [], []>, transpose_lhs_hint = false} : vector<256x128xf32>, vector<128x16xf32>, vector<256x16xf32> -> vector<256x16xf32>
    %add3A_27 = arith.addf %broadcast_in_dim3A_4, %dot_general3A_26 : vector<256x16xf32>
    %get3A_28 = arith.constant 0 : index
    %get3A_29 = arith.constant 0 : index
    %get3A_30 = vector.load %arg6[%get3A_28, %get3A_29] : memref<512x256xf32, #tpu.memory_space<vmem>>, vector<128x256xf32>
    %dot_general3A_31 = arith.constant dense<0.000000e+00> : vector<256x256xf32>
    %dot_general3A_32 = tpu.matmul %mul3A, %get3A_30, %dot_general3A_31 {dimension_numbers = #tpu.dot_dimension_numbers<[1], [0], [0], [1], [0, 0, 1, 1], [], []>, transpose_lhs_hint = false} : vector<256x128xf32>, vector<128x256xf32>, vector<256x256xf32> -> vector<256x256xf32>
    %add3A_33 = arith.addf %broadcast_in_dim3A_6, %dot_general3A_32 : vector<256x256xf32>
    %get3A_34 = arith.constant 1 : index
    %get3A_35 = arith.constant 0 : index
    %get3A_36 = arith.constant 0 : index
    %get3A_37 = vector.load %arg2[%get3A_34, %get3A_35, %get3A_36] : memref<4x256x128xf32, #tpu.memory_space<vmem>>, vector<1x256x128xf32>
    %get3A_38 = vector.shape_cast %get3A_37 : vector<1x256x128xf32> to vector<256x128xf32>
    %get3A_39 = arith.constant 0 : index
    %get3A_40 = arith.constant 128 : index
    %get3A_41 = vector.load %arg4[%get3A_39, %get3A_40] : memref<26x512xf32, #tpu.memory_space<vmem>>, vector<26x128xf32>
    %dot_general3A_42 = arith.constant dense<0.000000e+00> : vector<256x128xf32>
    %dot_general3A_43 = tpu.matmul %get3A_1, %get3A_41, %dot_general3A_42 {dimension_numbers = #tpu.dot_dimension_numbers<[1], [0], [0], [1], [0, 0, 1, 1], [], []>, transpose_lhs_hint = false} : vector<256x26xf32>, vector<26x128xf32>, vector<256x128xf32> -> vector<256x128xf32>
    %mul3A_44 = arith.mulf %get3A_38, %dot_general3A_43 : vector<256x128xf32>
    %get3A_45 = arith.constant 128 : index
    %get3A_46 = arith.constant 0 : index
    %get3A_47 = vector.load %arg5[%get3A_45, %get3A_46] : memref<512x16xf32, #tpu.memory_space<vmem>>, vector<128x16xf32>
    %dot_general3A_48 = arith.constant dense<0.000000e+00> : vector<256x16xf32>
    %dot_general3A_49 = tpu.matmul %mul3A_44, %get3A_47, %dot_general3A_48 {dimension_numbers = #tpu.dot_dimension_numbers<[1], [0], [0], [1], [0, 0, 1, 1], [], []>, transpose_lhs_hint = false} : vector<256x128xf32>, vector<128x16xf32>, vector<256x16xf32> -> vector<256x16xf32>
    %add3A_50 = arith.addf %add3A, %dot_general3A_49 : vector<256x16xf32>
    %mul3A_51 = arith.mulf %mul3A_44, %mul3A_44 : vector<256x128xf32>
    %get3A_52 = arith.constant 128 : index
    %get3A_53 = arith.constant 0 : index
    %get3A_54 = vector.load %arg5[%get3A_52, %get3A_53] : memref<512x16xf32, #tpu.memory_space<vmem>>, vector<128x16xf32>
    %dot_general3A_55 = arith.constant dense<0.000000e+00> : vector<256x16xf32>
    %dot_general3A_56 = tpu.matmul %mul3A_51, %get3A_54, %dot_general3A_55 {dimension_numbers = #tpu.dot_dimension_numbers<[1], [0], [0], [1], [0, 0, 1, 1], [], []>, transpose_lhs_hint = false} : vector<256x128xf32>, vector<128x16xf32>, vector<256x16xf32> -> vector<256x16xf32>
    %add3A_57 = arith.addf %add3A_27, %dot_general3A_56 : vector<256x16xf32>
    %get3A_58 = arith.constant 128 : index
    %get3A_59 = arith.constant 0 : index
    %get3A_60 = vector.load %arg6[%get3A_58, %get3A_59] : memref<512x256xf32, #tpu.memory_space<vmem>>, vector<128x256xf32>
    %dot_general3A_61 = arith.constant dense<0.000000e+00> : vector<256x256xf32>
    %dot_general3A_62 = tpu.matmul %mul3A_44, %get3A_60, %dot_general3A_61 {dimension_numbers = #tpu.dot_dimension_numbers<[1], [0], [0], [1], [0, 0, 1, 1], [], []>, transpose_lhs_hint = false} : vector<256x128xf32>, vector<128x256xf32>, vector<256x256xf32> -> vector<256x256xf32>
    %add3A_63 = arith.addf %add3A_33, %dot_general3A_62 : vector<256x256xf32>
    %get3A_64 = arith.constant 2 : index
    %get3A_65 = arith.constant 0 : index
    %get3A_66 = arith.constant 0 : index
    %get3A_67 = vector.load %arg2[%get3A_64, %get3A_65, %get3A_66] : memref<4x256x128xf32, #tpu.memory_space<vmem>>, vector<1x256x128xf32>
    %get3A_68 = vector.shape_cast %get3A_67 : vector<1x256x128xf32> to vector<256x128xf32>
    %get3A_69 = arith.constant 0 : index
    %get3A_70 = arith.constant 256 : index
    %get3A_71 = vector.load %arg4[%get3A_69, %get3A_70] : memref<26x512xf32, #tpu.memory_space<vmem>>, vector<26x128xf32>
    %dot_general3A_72 = arith.constant dense<0.000000e+00> : vector<256x128xf32>
    %dot_general3A_73 = tpu.matmul %get3A_1, %get3A_71, %dot_general3A_72 {dimension_numbers = #tpu.dot_dimension_numbers<[1], [0], [0], [1], [0, 0, 1, 1], [], []>, transpose_lhs_hint = false} : vector<256x26xf32>, vector<26x128xf32>, vector<256x128xf32> -> vector<256x128xf32>
    %mul3A_74 = arith.mulf %get3A_68, %dot_general3A_73 : vector<256x128xf32>
    %get3A_75 = arith.constant 256 : index
    %get3A_76 = arith.constant 0 : index
    %get3A_77 = vector.load %arg5[%get3A_75, %get3A_76] : memref<512x16xf32, #tpu.memory_space<vmem>>, vector<128x16xf32>
    %dot_general3A_78 = arith.constant dense<0.000000e+00> : vector<256x16xf32>
    %dot_general3A_79 = tpu.matmul %mul3A_74, %get3A_77, %dot_general3A_78 {dimension_numbers = #tpu.dot_dimension_numbers<[1], [0], [0], [1], [0, 0, 1, 1], [], []>, transpose_lhs_hint = false} : vector<256x128xf32>, vector<128x16xf32>, vector<256x16xf32> -> vector<256x16xf32>
    %add3A_80 = arith.addf %add3A_50, %dot_general3A_79 : vector<256x16xf32>
    %mul3A_81 = arith.mulf %mul3A_74, %mul3A_74 : vector<256x128xf32>
    %get3A_82 = arith.constant 256 : index
    %get3A_83 = arith.constant 0 : index
    %get3A_84 = vector.load %arg5[%get3A_82, %get3A_83] : memref<512x16xf32, #tpu.memory_space<vmem>>, vector<128x16xf32>
    %dot_general3A_85 = arith.constant dense<0.000000e+00> : vector<256x16xf32>
    %dot_general3A_86 = tpu.matmul %mul3A_81, %get3A_84, %dot_general3A_85 {dimension_numbers = #tpu.dot_dimension_numbers<[1], [0], [0], [1], [0, 0, 1, 1], [], []>, transpose_lhs_hint = false} : vector<256x128xf32>, vector<128x16xf32>, vector<256x16xf32> -> vector<256x16xf32>
    %add3A_87 = arith.addf %add3A_57, %dot_general3A_86 : vector<256x16xf32>
    %get3A_88 = arith.constant 256 : index
    %get3A_89 = arith.constant 0 : index
    %get3A_90 = vector.load %arg6[%get3A_88, %get3A_89] : memref<512x256xf32, #tpu.memory_space<vmem>>, vector<128x256xf32>
    %dot_general3A_91 = arith.constant dense<0.000000e+00> : vector<256x256xf32>
    %dot_general3A_92 = tpu.matmul %mul3A_74, %get3A_90, %dot_general3A_91 {dimension_numbers = #tpu.dot_dimension_numbers<[1], [0], [0], [1], [0, 0, 1, 1], [], []>, transpose_lhs_hint = false} : vector<256x128xf32>, vector<128x256xf32>, vector<256x256xf32> -> vector<256x256xf32>
    %add3A_93 = arith.addf %add3A_63, %dot_general3A_92 : vector<256x256xf32>
    %get3A_94 = arith.constant 3 : index
    %get3A_95 = arith.constant 0 : index
    %get3A_96 = arith.constant 0 : index
    %get3A_97 = vector.load %arg2[%get3A_94, %get3A_95, %get3A_96] : memref<4x256x128xf32, #tpu.memory_space<vmem>>, vector<1x256x128xf32>
    %get3A_98 = vector.shape_cast %get3A_97 : vector<1x256x128xf32> to vector<256x128xf32>
    %get3A_99 = arith.constant 0 : index
    %get3A_100 = arith.constant 384 : index
    %get3A_101 = vector.load %arg4[%get3A_99, %get3A_100] : memref<26x512xf32, #tpu.memory_space<vmem>>, vector<26x128xf32>
    %dot_general3A_102 = arith.constant dense<0.000000e+00> : vector<256x128xf32>
    %dot_general3A_103 = tpu.matmul %get3A_1, %get3A_101, %dot_general3A_102 {dimension_numbers = #tpu.dot_dimension_numbers<[1], [0], [0], [1], [0, 0, 1, 1], [], []>, transpose_lhs_hint = false} : vector<256x26xf32>, vector<26x128xf32>, vector<256x128xf32> -> vector<256x128xf32>
    %mul3A_104 = arith.mulf %get3A_98, %dot_general3A_103 : vector<256x128xf32>
    %get3A_105 = arith.constant 384 : index
    %get3A_106 = arith.constant 0 : index
    %get3A_107 = vector.load %arg5[%get3A_105, %get3A_106] : memref<512x16xf32, #tpu.memory_space<vmem>>, vector<128x16xf32>
    %dot_general3A_108 = arith.constant dense<0.000000e+00> : vector<256x16xf32>
    %dot_general3A_109 = tpu.matmul %mul3A_104, %get3A_107, %dot_general3A_108 {dimension_numbers = #tpu.dot_dimension_numbers<[1], [0], [0], [1], [0, 0, 1, 1], [], []>, transpose_lhs_hint = false} : vector<256x128xf32>, vector<128x16xf32>, vector<256x16xf32> -> vector<256x16xf32>
    %add3A_110 = arith.addf %add3A_80, %dot_general3A_109 : vector<256x16xf32>
    %mul3A_111 = arith.mulf %mul3A_104, %mul3A_104 : vector<256x128xf32>
    %get3A_112 = arith.constant 384 : index
    %get3A_113 = arith.constant 0 : index
    %get3A_114 = vector.load %arg5[%get3A_112, %get3A_113] : memref<512x16xf32, #tpu.memory_space<vmem>>, vector<128x16xf32>
    %dot_general3A_115 = arith.constant dense<0.000000e+00> : vector<256x16xf32>
    %dot_general3A_116 = tpu.matmul %mul3A_111, %get3A_114, %dot_general3A_115 {dimension_numbers = #tpu.dot_dimension_numbers<[1], [0], [0], [1], [0, 0, 1, 1], [], []>, transpose_lhs_hint = false} : vector<256x128xf32>, vector<128x16xf32>, vector<256x16xf32> -> vector<256x16xf32>
    %add3A_117 = arith.addf %add3A_87, %dot_general3A_116 : vector<256x16xf32>
    %get3A_118 = arith.constant 384 : index
    %get3A_119 = arith.constant 0 : index
    %get3A_120 = vector.load %arg6[%get3A_118, %get3A_119] : memref<512x256xf32, #tpu.memory_space<vmem>>, vector<128x256xf32>
    %dot_general3A_121 = arith.constant dense<0.000000e+00> : vector<256x256xf32>
    %dot_general3A_122 = tpu.matmul %mul3A_104, %get3A_120, %dot_general3A_121 {dimension_numbers = #tpu.dot_dimension_numbers<[1], [0], [0], [1], [0, 0, 1, 1], [], []>, transpose_lhs_hint = false} : vector<256x128xf32>, vector<128x256xf32>, vector<256x256xf32> -> vector<256x256xf32>
    %add3A_123 = arith.addf %add3A_93, %dot_general3A_122 : vector<256x256xf32>
    %mul3A_124 = arith.mulf %add3A_110, %add3A_110 : vector<256x16xf32>
    %sub3A = arith.subf %mul3A_124, %add3A_117 : vector<256x16xf32>
    %reduce_sum3A = arith.constant dense<0.000000e+00> : vector<256xf32>
    %reduce_sum3A_125 = vector.multi_reduction <add>, %sub3A, %reduce_sum3A [1] : vector<256x16xf32> to vector<256xf32>
    %broadcast_in_dim3A_126 = vector.shape_cast %reduce_sum3A_125 : vector<256xf32> to vector<256x1xf32>
    %mul3A_127 = arith.constant 5.000000e-01 : f32
    %mul3A_128 = vector.broadcast %mul3A_127 : f32 to vector<256x1xf32>
    %mul3A_129 = arith.mulf %mul3A_128, %broadcast_in_dim3A_126 : vector<256x1xf32>
    %get3A_130 = arith.constant 0 : index
    %get3A_131 = arith.constant 0 : index
    %get3A_132 = vector.load %arg7[%get3A_130, %get3A_131] : memref<1x256xf32, #tpu.memory_space<vmem>>, vector<1x256xf32>
    %add3A_133 = vector.broadcast %get3A_132 : vector<1x256xf32> to vector<256x256xf32>
    %add3A_134 = arith.addf %add3A_123, %add3A_133 : vector<256x256xf32>
    %max3A = arith.constant 0.000000e+00 : f32
    %max3A_135 = vector.broadcast %max3A : f32 to vector<256x256xf32>
    %max3A_136 = arith.maximumf %add3A_134, %max3A_135 : vector<256x256xf32>
    %get3A_137 = arith.constant 0 : index
    %get3A_138 = arith.constant 0 : index
    %get3A_139 = vector.load %arg8[%get3A_137, %get3A_138] : memref<256x128xf32, #tpu.memory_space<vmem>>, vector<256x128xf32>
    %dot_general3A_140 = arith.constant dense<0.000000e+00> : vector<256x128xf32>
    %dot_general3A_141 = tpu.matmul %max3A_136, %get3A_139, %dot_general3A_140 {dimension_numbers = #tpu.dot_dimension_numbers<[1], [0], [0], [1], [0, 0, 1, 1], [], []>, transpose_lhs_hint = false} : vector<256x256xf32>, vector<256x128xf32>, vector<256x128xf32> -> vector<256x128xf32>
    %get3A_142 = arith.constant 0 : index
    %get3A_143 = arith.constant 0 : index
    %get3A_144 = vector.load %arg9[%get3A_142, %get3A_143] : memref<1x128xf32, #tpu.memory_space<vmem>>, vector<1x128xf32>
    %add3A_145 = vector.broadcast %get3A_144 : vector<1x128xf32> to vector<256x128xf32>
    %add3A_146 = arith.addf %dot_general3A_141, %add3A_145 : vector<256x128xf32>
    %max3A_147 = arith.constant 0.000000e+00 : f32
    %max3A_148 = vector.broadcast %max3A_147 : f32 to vector<256x128xf32>
    %max3A_149 = arith.maximumf %add3A_146, %max3A_148 : vector<256x128xf32>
    %get3A_150 = arith.constant 0 : index
    %get3A_151 = arith.constant 0 : index
    %get3A_152 = vector.load %arg10[%get3A_150, %get3A_151] : memref<128x1xf32, #tpu.memory_space<vmem>>, vector<128x1xf32>
    %dot_general3A_153 = arith.constant dense<0.000000e+00> : vector<256x1xf32>
    %dot_general3A_154 = tpu.matmul %max3A_149, %get3A_152, %dot_general3A_153 {dimension_numbers = #tpu.dot_dimension_numbers<[1], [0], [0], [1], [0, 0, 1, 1], [], []>, transpose_lhs_hint = false} : vector<256x128xf32>, vector<128x1xf32>, vector<256x1xf32> -> vector<256x1xf32>
    %get3A_155 = arith.constant 1 : index
    %get3A_156 = memref.load %arg1[%get3A_155] : memref<3xf32, #tpu.memory_space<smem>>
    %mul3A_157 = vector.broadcast %get3A_156 : f32 to vector<256x1xf32>
    %mul3A_158 = arith.mulf %mul3A_129, %mul3A_157 : vector<256x1xf32>
    %add3A_159 = arith.addf %dot_general3A_154, %mul3A_158 : vector<256x1xf32>
    %get3A_160 = arith.constant 2 : index
    %get3A_161 = memref.load %arg1[%get3A_160] : memref<3xf32, #tpu.memory_space<smem>>
    %add3A_162 = vector.broadcast %get3A_161 : f32 to vector<256x1xf32>
    %add3A_163 = arith.addf %add3A_159, %add3A_162 : vector<256x1xf32>
    %swap3A = arith.constant 0 : index
    %swap3A_164 = arith.constant 0 : index
    %swap3A_165 = vector.load %arg11[%swap3A, %swap3A_164] : memref<256x1xf32, #tpu.memory_space<vmem>>, vector<256x1xf32>
    tpu.vector_store %arg11[%swap3A, %swap3A_164], %add3A_163 {strides = array<i32>} : memref<256x1xf32, #tpu.memory_space<vmem>>, vector<256x1xf32>,
    return
  }
  func.func @transform_0(%arg0: i32) -> i32 {
    %c0_i32 = arith.constant 0 : i32
    %c0_i32_0 = arith.constant 0 : i32
    return %c0_i32 : i32
  }
  func.func @transform_1(%arg0: i32) -> (i32, i32, i32) {
    %c0_i32 = arith.constant 0 : i32
    %c0_i32_0 = arith.constant 0 : i32
    %c0_i32_1 = arith.constant 0 : i32
    return %c0_i32, %arg0, %c0_i32_0 : i32, i32, i32
  }
  func.func @transform_2(%arg0: i32) -> (i32, i32) {
    %c0_i32 = arith.constant 0 : i32
    %c0_i32_0 = arith.constant 0 : i32
    return %arg0, %c0_i32 : i32, i32
  }
  func.func @transform_3(%arg0: i32) -> (i32, i32) {
    %c0_i32 = arith.constant 0 : i32
    %c0_i32_0 = arith.constant 0 : i32
    %c0_i32_1 = arith.constant 0 : i32
    return %c0_i32, %c0_i32_0 : i32, i32
  }
  func.func @transform_4(%arg0: i32) -> (i32, i32) {
    %c0_i32 = arith.constant 0 : i32
    %c0_i32_0 = arith.constant 0 : i32
    %c0_i32_1 = arith.constant 0 : i32
    return %c0_i32, %c0_i32_0 : i32, i32
  }
  func.func @transform_5(%arg0: i32) -> (i32, i32) {
    %c0_i32 = arith.constant 0 : i32
    %c0_i32_0 = arith.constant 0 : i32
    %c0_i32_1 = arith.constant 0 : i32
    return %c0_i32, %c0_i32_0 : i32, i32
  }
  func.func @transform_6(%arg0: i32) -> (i32, i32) {
    %c0_i32 = arith.constant 0 : i32
    %c0_i32_0 = arith.constant 0 : i32
    %c0_i32_1 = arith.constant 0 : i32
    return %c0_i32, %c0_i32_0 : i32, i32
  }
  func.func @transform_7(%arg0: i32) -> (i32, i32) {
    %c0_i32 = arith.constant 0 : i32
    %c0_i32_0 = arith.constant 0 : i32
    %c0_i32_1 = arith.constant 0 : i32
    return %c0_i32, %c0_i32_0 : i32, i32
  }
  func.func @transform_8(%arg0: i32) -> (i32, i32) {
    %c0_i32 = arith.constant 0 : i32
    %c0_i32_0 = arith.constant 0 : i32
    %c0_i32_1 = arith.constant 0 : i32
    return %c0_i32, %c0_i32_0 : i32, i32
  }
  func.func @transform_9(%arg0: i32) -> (i32, i32) {
    %c0_i32 = arith.constant 0 : i32
    %c0_i32_0 = arith.constant 0 : i32
    %c0_i32_1 = arith.constant 0 : i32
    return %c0_i32, %c0_i32_0 : i32, i32
  }
  func.func @transform_10(%arg0: i32) -> (i32, i32) {
    %c0_i32 = arith.constant 0 : i32
    %c0_i32_0 = arith.constant 0 : i32
    return %arg0, %c0_i32 : i32, i32
  }
}

</mosaic_0001>

<sc_bundles>
// kernel: kernel.5.cloned.1.call-start
scs
__scs_entry_jumppad:
0x0: {  	(pc) =	sbr.rel $0x88, $3  }
0x1: {  	(tag) =	ssettag $0x0;
	lr =	simm.s32 $0x1  }
0x2: {  	[smem:$0x3F97] =	sst lr;
	_ =	strace $0xD0000000  }
0x3: {  	_ = 	snop  }
0x4: {  	_ = 	snop  }
0x5: {  	_ = 	snop  }
0x6: {  	_ = 	snop  }
0x7: {  	_ = 	snop  }
__scs_overlays_trampoline_lowered:
0x8: {  	[smem:$0x3FA6] =	sst s0  }
0x9: {  	[smem:$0x3FA7] =	sst s1  }
0xa: {  	[smem:$0x3FA8] =	sst s2  }
0xb: {  	[smem:$0x3FA9] =	sst s3  }
0xc: {  	[smem:$0x3FAA] =	sst s4  }
0xd: {  	[smem:$0x3FAB] =	sst s5  }
0xe: {  	[smem:$0x3FAC] =	sst s6  }
0xf: {  	[smem:$0x3FAD] =	sst s7  }
0x10: {  	[smem:$0x3FAE] =	sst s8  }
0x11: {  	[smem:$0x3FAF] =	sst s9;
	s0 =	simm.s32 @!p0 $0x0  }
0x12: {  	s1 =	sld [smem:$0x3F95];
	s0 =	simm.s32 @p0 $0x1  }
0x13: {  	[smem:$0x3FB0] =	sst s0;
	s0 =	simm.s32 @!p1 $0x0  }
0x14: {  	s2 =	sld [smem:$0x3F94];
	s0 =	simm.s32 @p1 $0x1  }
0x15: {  	[smem:$0x3FB1] =	sst s0;
	s0 =	simm.s32 @!p2 $0x0  }
0x16: {  	s3 =	sld [smem:$0x3FDB];
	s0 =	simm.s32 @p2 $0x1  }
0x17: {  	s4 =	simm.s32 $0x1BF5;
	[smem:$0x3FB3] =	sst s0  }
0x18: {  	s0 =	sld [smem:$0x3F96];
	_ =	swait.ge [sflag:s4], $0x0  }
0x19: {  	s7 =	sld [smem:$0x3F97]  }
0x1a: {  	s8 =	sadd.s32 $0xFFFFE003, lr  }
0x1b: {  	s9 =	sadd.s32 $0xFFFFFEF7, lr;
	s5 =	simm.s32 $0xFFFFFFFF;
	p2 =	slt.u32 s8, $0xFFFFF086  }
0x1c: {  	p1 =	slt.u32 s9, $0xF7A;
	s5 =	simm.s32 @!p2 $0x0  }
0x1d: {  	s5 =	simm.s32 @p1 $0x1;
	p0 =	seq.s32 s7, s2  }
0x1e: {  	s7 =	smul.u32 @!p0 $0xF7A, s2;
	p2 =	seq.s32 @!p0 s5, $0x0  }
0x1f: {  	s9 =	smul.u32 $0xF7A, s1;
	s8 =	simm.s32 @!p0 $0x1BF5;
	p2 =	por !p2, p0  }
0x20: {  	[sflag:s8] =	ssyncset.s32 @!p0 $0xFFFFF086;
	s6 =	sadd.s32 @!p0 s3, s7;
	s7 =	simm.s32 @!p0 $0x108  }
0x21: {  	s3 =	sadd.s32 s3, s9;
	s6 =	sadd.s32 @!p0 $0x88, s6;
	s7 =	simm.s32 @p2 $0x1082  }
0x22: {  	[simem:s7], [sflag:s8] =	dma.local @!p0 [hbm:s6], $0xF7A  }
0x23: {  	s9 =	sor.u32 $0xD0000000, s2;
	s6 =	simm.s32 $0x108;
	_ =	swait.ge @!p0 [sflag:s8], $0x0  }
0x24: {  	s3 =	sadd.s32 $0x88, s3;
	s6 =	simm.s32 @!p1 $0x1082;
	[sflag:s4] =	ssyncset.s32 $0xFFFFF086  }
0x25: {  	[simem:s6], [sflag:s4] =	dma.local [hbm:s3], $0xF7A  }
0x26: {  	[smem:$0x3F97] =	sst s1;
	(tag) =	ssettag s2;
	_ =	strace s9  }
0x27: {  	s1 =	sld [smem:$0x3FA7]  }
0x28: {  	s2 =	sld [smem:$0x3FA8]  }
0x29: {  	s4 =	sld [smem:$0x3FAA]  }
0x2a: {  	p0 =	seq.s32 s5, $0x0;
	s5 =	sld [smem:$0x3FAB]  }
0x2b: {  	s6 =	sld [smem:$0x3FAC]  }
0x2c: {  	s7 =	sld [smem:$0x3FAD]  }
0x2d: {  	s3 =	simm.s32 $0x108;
	s8 =	sld [smem:$0x3FAE]  }
0x2e: {  	s3 =	simm.s32 @!p0 $0x1082;
	s9 =	sld [smem:$0x3FAF]  }
0x2f: {  	lr =	sadd.s32 s0, s3;
	s0 =	sld [smem:$0x3FA6]  }
0x30: {  	s3 =	sld [smem:$0x3FA9]  }
0x31: {  	[smem:$0x3FB2] =	sst s10  }
0x32: {  	s10 =	sld [smem:$0x3FB0];
	_ =	sdelay $0x3  }
0x33: {  	p0 =	seq.s32 s10, $0x1;
	s10 =	sld [smem:$0x3FB2];
	_ =	sdelay $0x3  }
0x34: {  	[smem:$0x3FB2] =	sst s10  }
0x35: {  	s10 =	sld [smem:$0x3FB1];
	_ =	sdelay $0x3  }
0x36: {  	p1 =	seq.s32 s10, $0x1;
	s10 =	sld [smem:$0x3FB2];
	_ =	sdelay $0x3  }
0x37: {  	[smem:$0x3FB2] =	sst s10  }
0x38: {  	s10 =	sld [smem:$0x3FB3]  }
0x39: {  	_ = 	snop;
	(pc) =	sbr.ind lr, $3  }
0x3a: {  	_ = 	snop  }
0x3b: {  	_ = 	snop  }
0x3c: {  	p2 =	seq.s32 s10, $0x1;
	s10 =	sld [smem:$0x3FB2]  }
0x3d: {  	_ =	shalt  }
0x3e: {  	_ =	shalt  }
0x3f: {  	_ =	shalt  }
0x40: {  	_ =	shalt  }
0x41: {  	_ =	shalt  }
0x42: {  	_ =	shalt  }
0x43: {  	_ =	shalt  }
0x44: {  	_ =	shalt  }
0x45: {  	_ =	shalt  }
0x46: {  	_ =	shalt  }
0x47: {  	_ =	shalt  }
0x48: {  	_ =	shalt  }
0x49: {  	_ =	shalt  }
0x4a: {  	_ =	shalt  }
0x4b: {  	_ =	shalt  }
0x4c: {  	_ =	shalt  }
0x4d: {  	_ =	shalt  }
0x4e: {  	_ =	shalt  }
0x4f: {  	_ =	shalt  }
0x50: {  	_ =	shalt  }
0x51: {  	_ =	shalt  }
0x52: {  	_ =	shalt  }
0x53: {  	_ =	shalt  }
0x54: {  	_ =	shalt  }
0x55: {  	_ =	shalt  }
0x56: {  	_ =	shalt  }
0x57: {  	_ =	shalt  }
0x58: {  	_ =	shalt  }
0x59: {  	_ =	shalt  }
0x5a: {  	_ =	shalt  }
0x5b: {  	_ =	shalt  }
0x5c: {  	_ =	shalt  }
0x5d: {  	_ =	shalt  }
0x5e: {  	_ =	shalt  }
0x5f: {  	_ =	shalt  }
0x60: {  	_ =	shalt  }
0x61: {  	_ =	shalt  }
0x62: {  	_ =	shalt  }
0x63: {  	_ =	shalt  }
0x64: {  	_ =	shalt  }
0x65: {  	_ =	shalt  }
0x66: {  	_ =	shalt  }
0x67: {  	_ =	shalt  }
0x68: {  	_ =	shalt  }
0x69: {  	_ =	shalt  }
0x6a: {  	_ =	shalt  }
0x6b: {  	_ =	shalt  }
0x6c: {  	_ =	shalt  }
0x6d: {  	_ =	shalt  }
0x6e: {  	_ =	shalt  }
0x6f: {  	_ =	shalt  }
0x70: {  	_ =	shalt  }
0x71: {  	_ =	shalt  }
0x72: {  	_ =	shalt  }
0x73: {  	_ =	shalt  }
0x74: {  	_ =	shalt  }
0x75: {  	_ =	shalt  }
0x76: {  	_ =	shalt  }
0x77: {  	_ =	shalt  }
0x78: {  	_ =	shalt  }
0x79: {  	_ =	shalt  }
0x7a: {  	_ =	shalt  }
0x7b: {  	_ =	shalt  }
0x7c: {  	_ =	shalt  }
0x7d: {  	_ =	shalt  }
0x7e: {  	_ =	shalt  }
0x7f: {  	_ =	shalt  }
0x80: {  	_ =	shalt  }
0x81: {  	_ =	shalt  }
0x82: {  	_ =	shalt  }
0x83: {  	_ =	shalt  }
0x84: {  	_ =	shalt  }
0x85: {  	_ =	shalt  }
0x86: {  	_ =	shalt  }
0x87: {  	_ =	shalt  }
.Lfunc_end0:
.L_simem_size_0:
called_computation_lowered:
.L_overlay_start_0:
0x88: {  	s2 =	sld [smem:$0x3FD9]  }
0x89: {  	s3 =	sld [smem:$0x3FFE];
	_ =	sdelay $0x1  }
0x8a: {  	s1 =	srdreg.scid  }
0x8b: {  	s0 =	sand.u32 $0x1, s1  }
0x8c: {  	s17 =	sshll.u32 s0, $0xA;
	s2 =	sadd.s32 s3, s2  }
0x8d: {  	s2 =	sadd.s32 s2, s17  }
0x8e: {  	[smem:$0x3FBE] =	sst s2  }
0x8f: {  	_ = 	snop  }
0x90: {  	s2 =	sld [smem:$0x3FD0];
	(tm) =	ssettm $0x1  }
0x91: {  	s18 =	sld [smem:$0x3FFB];
	_ =	sdelay $0x3  }
0x92: {  	_ =	strace s18  }
0x93: {  	s3 =	sld [smem:$0x3FFC];
	_ =	sdelay $0x3  }
0x94: {  	_ =	strace s3  }
0x95: {  	s3 =	sld [smem:$0x3FFD];
	_ =	sdelay $0x3  }
0x96: {  	_ =	strace s3  }
0x97: {  	_ =	strace $0x8FFFFFFF  }
0x98: {  	s19 =	sld [smem:$0x3FDB];
	_ =	sdelay $0x1  }
0x99: {  	s4 =	simm.s32 $_scs_section_size  }
0x9a: {  	s5 =	simm.s32 $_size__tile_overlayer_lowered;
	s6 =	simm.s32 $_tile_overlayer_lowered  }
0x9b: {  	s22 =	simm.s32 $0x1BFF;
	s21 =	sshll.u32 s6, $0x1;
	s3 =	sadd.s32 s4, s19  }
0x9c: {  	s7 =	simm.s32 $0x0;
	s20 =	sshll.u32 s5, $0x1;
	s5 =	sadd.s32 s21, s3  }
0x9d: {  	[timem:s7], [sflag:s22] =	dma.local [hbm:s5], s20  }
0x9e: {  	_ =	swait.ge [sflag:s22], s20  }
0x9f: {  	s4 =	ssub.s32 $0x0, s20;
	[sflag:s22] =	ssyncset.done $0x0  }
0xa0: {  	[sflag:s22] =	ssyncadd.s32 s4;
	_ =	sdelay $0x1  }
0xa1: {  	s23 =	simm.s32 $0x1B8B  }
0xa2: {  	_ =	swait.ge [sflag:s23], $0x1  }
0xa3: {  	[sflag:s23] =	ssyncset.done $0x0  }
0xa4: {  	s25 =	simm.s32 $0x1B8E;
	s24 =	sld [smem:$0x3FFE];
	[sflag:s23] =	ssyncadd.s32 $0xFFFFFFFF  }
0xa5: {  	s26 =	simm.s32 $execute0_lowered;
	[smem:$0x3FD2] =	sst s25  }
0xa6: {  	s5 =	sshll.u32 s26, $0x1;
	_ =	strace $0x80000046;
	[dreg:$0x1] =	wrdreg $0xFFFFFFFF  }
0xa7: {  	s28 =	simm.s32 $_size_execute0_lowered;
	s3 =	sadd.s32 s3, s5;
	[dreg:$0x0] =	wrdreg $0x0  }
0xa8: {  	s5 =	sshll.u32 s28, $0x1;
	[dreg:$0x2] =	wrdreg s3  }
0xa9: {  	[dreg:$0x3] =	wrdreg s5  }
0xaa: {  	[dreg:$0x4] =	wrdreg $0xC0  }
0xab: {  	_ =	task [dreg:s7], $0x5FFFF  }
0xac: {  	[dreg:$0x1] =	wrdreg $0xFFFFFFFF  }
0xad: {  	[dreg:$0x0] =	wrdreg $0x60  }
0xae: {  	[dreg:$0x2] =	wrdreg s24  }
0xaf: {  	[dreg:$0x3] =	wrdreg s2  }
0xb0: {  	[dreg:$0x4] =	wrdreg $0x9  }
0xb1: {  	_ =	task.clear_ibuf [dreg:s7], $0x5FFFF;
	_ =	strace $0x90000046  }
0xb2: {  	s29 =	simm.s32 $0x9;
	_ =	strace $0x80000048  }
0xb3: {  	_ =	swait.ge [sflag:s29], $0x1  }
0xb4: {  	[sflag:s29] =	ssyncadd.s32 $0xFFFFFFFF  }
0xb5: {  	_ =	strace $0x90000048  }
0xb6: {  	_ =	sfence  }
0xb7: {  	s30 =	sld [smem:$0x0];
	_ =	sdelay $0x2  }
0xb8: {  	s31 =	sshll.u32 s1, $0xD;
	s1 =	sshrl.u32 s1, $0x2  }
0xb9: {  	s3 =	sand.u32 $0x4000, s31;
	s1 =	sadd.s32 s1, s30  }
0xba: {  	s0 =	sor.u32 s3, s0;
	s1 =	sshll.u32 s1, $0x11  }
0xbb: {  	s0 =	sor.u32 s1, s0  }
0xbc: {  	s0 =	sadd.s32 $0x8F2B, s0  }
0xbd: {  	[sflag:s0] =	ssyncadd.remote.s32 $0x1  }
0xbe: {  	_ =	sfence.sel $0xFFFF  }
0xbf: {  	[dreg:$0x0] =	wrdreg $0xFFFFFFFF;
	(pc) =	sbr.abs _section_cstart, $3  }
0xc0: {  	[dreg:$0x1] =	wrdreg $0xFFFFFFFF  }
0xc1: {  	_ =	task.clear_ibuf [dreg:s7], $0x2FFFF;
	_ =	strace $0x9FFFFFFF  }
0xc2: {  	(tm) =	ssettm $0x7FFFFFFF  }
0xc3: {  	_ =	shalt  }
tec
execute0_lowered:
.L_overlay_start_1:
0x0: {  	(tag) =	ssettag $0x1  }
0x1: {  	s3 =	rddreg [dreg:$0x0]  }
0x2: {  	s1 =	srdreg.scid;
	s0 =	stileid.u32  }
0x3: {  	s7 =	rddreg [dreg:$0x1];
	s2 =	simm.s32 $0x0;
	s10 =	simm.s32 $0x4000  }
0x4: {  	s11 =	simm.s32 $0x8000;
	s12 =	simm.s32 $0x400;
	s13 =	simm.s32 $0x1  }
0x5: {  	s14 =	simm.s32 $0x8800;
	s4 =	sand.u32 $0x1, s1;
	s1 =	rddreg [dreg:$0x2]  }
0x6: {  	s15 =	simm.s32 $0x0;
	s5 =	sshll.u32 s0, $0x1;
	[smem:$0x7FF] =	sst s2  }
0x7: {  	s8 =	sor.u32 s4, s5;
	s4 =	ssub.s32 $0x2, s4;
	_ =	strace $0x80000047  }
0x8: {  	s5 =	sshll.u32 s8, $0xB;
	s31 =	sshrl.u32 s4, $0x1;
	s8 =	sshll.u32 s8, $0x6  }
0x9: {  	s6 =	sadd.s32 s5, s3;
	s3 =	sadd.s32 $0x61600, s3;
	s9 =	ssub.s32 s4, s31  }
0xa: {  	v0 =	vlaneseq.u32;
	s7 =	sadd.s32 s7, s8;
	s4 =	sadd.s32 $0x1600, s6;
	s5 =	sadd.s32 $0x51600, s6  }
0xb: {  	v1 =	vimm.f32 $0.0e+00;
	v2 =	vimm.s32 $0x0;
	v3 =	vmul.u32 $0x20, v0;
	s6 =	sadd.s32 $0x80000, s6;
	s8 =	smax.u32 s9, $0x1;
	s9 =	simm.s32 $0x2  }
.LBB2_1:
0xc: {  	[tilespmem:s2], [sflag:$0x2] =	stream.linear.gather [hbm4b:s4+s2], $0x4000, $0x38;
	[tilespmem:$0x8A00] =	vst v63  }
0xd: {  	_ =	swait.ge [sflag:s9], $0x4000  }
0xe: {  	[sflag:s9] =	ssyncset.done $0x0  }
0xf: {  	[sflag:s9] =	ssyncadd.s32 $0xFFFFC000  }
0x10: {  	[tilespmem:s10], [sflag:$0x2] =	stream.linear.gather [hbm4b:s5+s2], $0x4000, $0x38;
	[tilespmem:$0x8A00] =	vst v63  }
0x11: {  	_ =	swait.ge [sflag:s9], $0x4000  }
0x12: {  	[sflag:s9] =	ssyncset.done $0x0  }
0x13: {  	[sflag:s9] =	ssyncadd.s32 $0xFFFFC000  }
0x14: {  	[tilespmem:$0x8800] =	vst v1  }
0x15: {  	[tilespmem:$0x8810] =	vst v1  }
0x16: {  	[tilespmem:$0x8820] =	vst v1  }
0x17: {  	[tilespmem:$0x8830] =	vst v1  }
0x18: {  	[tilespmem:$0x8840] =	vst v1  }
0x19: {  	[tilespmem:$0x8850] =	vst v1  }
0x1a: {  	[tilespmem:$0x8860] =	vst v1  }
0x1b: {  	[tilespmem:$0x8870] =	vst v1  }
0x1c: {  	[tilespmem:$0x8880] =	vst v1  }
0x1d: {  	[tilespmem:$0x8890] =	vst v1  }
0x1e: {  	[tilespmem:$0x88A0] =	vst v1  }
0x1f: {  	[tilespmem:$0x88B0] =	vst v1  }
0x20: {  	[tilespmem:$0x88C0] =	vst v1  }
0x21: {  	[tilespmem:$0x88D0] =	vst v1  }
0x22: {  	[tilespmem:$0x88E0] =	vst v1  }
0x23: {  	[tilespmem:$0x88F0] =	vst v1  }
0x24: {  	[tilespmem:$0x8900] =	vst v1  }
0x25: {  	[tilespmem:$0x8910] =	vst v1  }
0x26: {  	[tilespmem:$0x8920] =	vst v1  }
0x27: {  	[tilespmem:$0x8930] =	vst v1  }
0x28: {  	[tilespmem:$0x8940] =	vst v1  }
0x29: {  	[tilespmem:$0x8950] =	vst v1  }
0x2a: {  	[tilespmem:$0x8960] =	vst v1  }
0x2b: {  	[tilespmem:$0x8970] =	vst v1  }
0x2c: {  	[tilespmem:$0x8980] =	vst v1  }
0x2d: {  	[tilespmem:$0x8990] =	vst v1  }
0x2e: {  	[tilespmem:$0x89A0] =	vst v1  }
0x2f: {  	[tilespmem:$0x89B0] =	vst v1  }
0x30: {  	[tilespmem:$0x89C0] =	vst v1  }
0x31: {  	[tilespmem:$0x89D0] =	vst v1  }
0x32: {  	[tilespmem:$0x89E0] =	vst v1  }
0x33: {  	s16 =	simm.s32 $0x0;
	s17 =	simm.s32 $0x0;
	[tilespmem:$0x89F0] =	vst v1  }
.LBB2_2:
0x34: {  	s20 =	sand.u32 $0x3, s17;
	s19 =	simm.s32 $0x0;
	s21 =	simm.s32 $0x10  }
0x35: {  	s18 =	sshll.u32 s20, $0x3;
	v5 =	vmov s19;
	v6 =	vor.u32 s19, v0;
	v9 =	vmov s21  }
0x36: {  	v4 =	vmov s18;
	v7 =	vshrl.u32 v5, $0x7;
	v6 =	vand.u32 $0x7F, v6  }
0x37: {  	vm0 =	veq.s32 v5, v0;
	vm1 =	vne.s32 v6, $0x0;
	v5 =	vadd.s32 v4, v7  }
0x38: {  	s28 =	sshll.u32 s17, $0x5;
	v10 =	vshrl.u32 v9, $0x7;
	vm0 =	vmand vm0, vm1;
	v7 =	vbroadcast v5, $0x0  }
0x39: {  	s19 =	sand.u32 $0x180, s28;
	v10 =	vadd.s32 v4, v10;
	v8 =	vsel vm0, $0xFFFFFFFF, v2  }
0x3a: {  	v5 =	vmov s19;
	vm1 =	veq.s32 v9, v0;
	v7 =	vadd.s32 v8, v7  }
0x3b: {  	v6 =	vor.u32 v5, v6;
	v8 =	vor.u32 s21, v0;
	vm0 =	vlt.s32 v7, $0x19  }
0x3c: {  	v6 =	vshll.u32 v6, $0x5;
	v8 =	vand.u32 $0x7F, v8;
	v7 =	vnsel vm0, $0x19, v7  }
0x3d: {  	vm0 =	vne.s32 v8, $0x0;
	v9 =	vand.u32 $0xFFFFFFF8, v7;
	v7 =	vand.u32 $0x7, v7  }
0x3e: {  	vm0 =	vmand vm1, vm0;
	v6 =	vadd.s32 v6, v9;
	v9 =	vbroadcast v10, $0x0  }
0x3f: {  	s29 =	simm.s32 $0x20;
	v6 =	vor.u32 v7, v6;
	v7 =	vsel vm0, $0xFFFFFFFF, v2  }
0x40: {  	v8 =	vor.u32 v5, v8;
	v10 =	vmov s29;
	v7 =	vadd.s32 v7, v9  }
0x41: {  	v11 =	vshrl.u32 v10, $0x7;
	v9 =	vor.u32 s29, v0;
	vm0 =	vlt.s32 v7, $0x19  }
0x42: {  	vm1 =	veq.s32 v10, v0;
	v10 =	vand.u32 $0x7F, v9;
	v7 =	vnsel vm0, $0x19, v7  }
0x43: {  	v8 =	vshll.u32 v8, $0x5;
	vm0 =	vne.s32 v10, $0x0;
	v9 =	vand.u32 $0xFFFFFFF8, v7  }
0x44: {  	v7 =	vand.u32 $0x7, v7;
	v12 =	vld.idx.msk [tilespmem:v6+s2+$0x0], $0xffff;
	v6 =	vadd.s32 v4, v11;
	v8 =	vadd.s32 v8, v9  }
0x45: {  	vm0 =	vmand vm1, vm0;
	v6 =	vbroadcast v6, $0x0;
	v7 =	vor.u32 v7, v8  }
0x46: {  	s30 =	simm.s32 $0x30;
	v8 =	vsel vm0, $0xFFFFFFFF, v2  }
0x47: {  	v10 =	vor.u32 v5, v10;
	v9 =	vmov s30;
	v13 =	vadd.s32 v8, v6  }
0x48: {  	s31 =	sand.u32 $0x3FFFFF80, s16;
	s22 =	simm.s32 $0x8000;
	v11 =	vor.u32 s30, v0;
	vm0 =	veq.s32 v9, v0;
	vm1 =	vlt.s32 v13, $0x19  }
0x49: {  	s23 =	simm.s32 $0x40;
	s19 =	sand.u32 $0xFFFFFF80, s16;
	s21 =	sadd.s32 $0x8800, s31;
	v8 =	vshrl.u32 v9, $0x7;
	v6 =	vand.u32 $0x7F, v11;
	v9 =	vnsel vm1, $0x19, v13;
	[tilespmem:s22+$0x0] =	vst v12  }
.LBB2_3:
0x4a: {  	p0 =	sne.s32 s23, $0x3F0;
	vm1 =	vne.s32 v6, $0x0;
	v11 =	vand.u32 $0xFFFFFFF8, v9;
	v10 =	vshll.u32 v10, $0x5;
	v12 =	vld.idx.msk [tilespmem:v7+s2+$0x0], $0xffff  }
0x4b: {  	v7 =	vadd.s32 v4, v8;
	v8 =	vand.u32 $0x7, v9;
	v9 =	vadd.s32 v10, v11  }
.Ltmp0:
0x4c: {  	vm0 =	vmand vm0, vm1;
	v10 =	vbroadcast v7, $0x0;
	v7 =	vor.u32 v8, v9;
	(pc) =	sbr.rel @p0 .LBB2_3-.Ltmp0, $4  }
0x4d: {  	v8 =	vsel vm0, $0xFFFFFFFF, v2  }
0x4e: {  	v11 =	vor.u32 s23, v0;
	v9 =	vmov s23;
	v10 =	vadd.s32 v8, v10  }
0x4f: {  	s22 =	sadd.s32 $0x10, s22;
	v8 =	vshrl.u32 v9, $0x7;
	vm0 =	veq.s32 v9, v0;
	vm1 =	vlt.s32 v10, $0x19  }
0x50: {  	s23 =	sadd.s32 $0x10, s23;
	v9 =	vnsel vm1, $0x19, v10;
	v10 =	vor.u32 v5, v6;
	v6 =	vand.u32 $0x7F, v11;
	[tilespmem:s22+$0x0] =	vst v12  }
0x51: {  	_ =	sdelay $0x1  }
0x52: {  	vm1 =	vne.s32 v6, $0x0;
	v11 =	vand.u32 $0xFFFFFFF8, v9  }
0x53: {  	v10 =	vshll.u32 v10, $0x5;
	v4 =	vadd.s32 v4, v8;
	v61 =	vand.u32 $0x7, v9  }
0x54: {  	v7 =	vld.idx.msk [tilespmem:v7+s2+$0x0], $0xffff;
	v62 =	vadd.s32 v10, v11;
	vm0 =	vmand vm0, vm1;
	v4 =	vbroadcast v4, $0x0  }
0x55: {  	v8 =	vor.u32 v61, v62;
	v63 =	vsel vm0, $0xFFFFFFFF, v2  }
0x56: {  	v4 =	vadd.s32 v63, v4  }
0x57: {  	vm15 =	vlt.s32 v4, $0x19  }
0x58: {  	s22 =	sadd.s32 $0x10, s22;
	v5 =	vor.u32 v5, v6;
	v4 =	vnsel vm15, $0x19, v4  }
0x59: {  	v5 =	vshll.u32 v5, $0x5;
	[tilespmem:s22+$0x0] =	vst v7;
	v6 =	vand.u32 $0xFFFFFFF8, v4  }
0x5a: {  	v4 =	vand.u32 $0x7, v4;
	v7 =	vld.idx.msk [tilespmem:v8+s2+$0x0], $0xffff;
	v5 =	vadd.s32 v5, v6  }
0x5b: {  	v4 =	vor.u32 v4, v5;
	_ =	sdelay $0x2  }
0x5c: {  	s22 =	sadd.s32 $0x10, s22  }
0x5d: {  	[tilespmem:s22+$0x0] =	vst v7  }
0x5e: {  	v4 =	vld.idx.msk [tilespmem:v4+s2+$0x0], $0xffff;
	_ =	sdelay $0x3  }
0x5f: {  	s23 =	sshll.u32 s17, $0x7;
	s22 =	sadd.s32 $0x10, s22  }
0x60: {  	s23 =	sadd.s32 s23, s6;
	[tilespmem:s22+$0x0] =	vst v4;
	s22 =	simm.s32 $0x0  }
0x61: {  	[hbm4b:s23+s22] =	stream.linear.scatter [tilespmem:s11], [sflag:$0x2], $0x400, $0x38;
	[tilespmem:$0x8A00] =	vst v63  }
0x62: {  	_ =	swait.ge [sflag:s9], $0x400  }
0x63: {  	[sflag:s9] =	ssyncset.done $0x0  }
0x64: {  	s23 =	simm.s32 $0x8400;
	[sflag:s9] =	ssyncadd.s32 $0xFFFFFC00  }
0x65: {  	[tilespmem:s23], [sflag:$0x1] =	stream.indirect.gather [hbm4b:s3+s12], $0x1, s11, s12, $0xb8;
	[tilespmem:$0x8A00] =	vst v63  }
0x66: {  	_ =	swait.ge [sflag:s13], $0x400  }
0x67: {  	p0 =	seq.s32 s20, $0x3;
	s20 =	simm.s32 $0x2;
	[sflag:s13] =	ssyncset.done $0x0  }
0x68: {  	s20 =	simm.s32 @!p0 $0x8;
	v4 =	vmov s21;
	[sflag:s13] =	ssyncadd.s32 $0xFFFFFC00  }
.LBB2_5:
0x69: {  	s21 =	sadd.s32 s18, s22  }
0x6a: {  	v5 =	vmov s21  }
0x6b: {  	v7 =	vmov s19;
	v5 =	vand.u32 $0x7FFFFFFF, v5  }
0x6c: {  	v7 =	vshll.u32 v7, $0x5;
	v6 =	vbroadcast v5, $0x0  }
0x6d: {  	v7 =	vor.u32 v3, v7;
	v5 =	vmov s23  }
0x6e: {  	v8 =	vadd.s32 v6, v7;
	_ =	sdelay $0x2  }
0x6f: {  	s21 =	simm.s32 $0x0  }
0x70: {  	v7 =	vld.idx.msk [tilespmem:v5+s21+$0x0 ss:$0x1], $0xffff  }
0x71: {  	v8 =	vld.idx.msk [tilespmem:v8+s10+$0x0], $0xffff;
	_ =	sdelay $0x1  }
0x72: {  	s25 =	sadd.s32 $0x10, s19;
	v9 =	vld.idx.msk [tilespmem:v4+s21+$0x0 ss:$0x1], $0xffff  }
0x73: {  	s24 =	simm.s32 $0x40;
	s26 =	simm.s32 $0x80;
	v10 =	vmov s25  }
.LBB2_6:
0x74: {  	p0 =	sne.s32 s26, $0x1C0;
	v10 =	vshll.u32 v10, $0x5  }
0x75: {  	v7 =	vmul.f32 v7, v8;
	v10 =	vor.u32 v3, v10  }
0x76: {  	v8 =	vadd.s32 v6, v10  }
0x77: {  	v7 =	vadd.f32 v7, v9;
	_ =	sdelay $0x1  }
0x78: {  	[tilespmem:v4+s21+$0x0 ss:$0x1] =	vst.idx.msk $0xffff, v7;
	s21 =	sshra.s32 s24, $0x2;
	s24 =	smov.u32 s26  }
0x79: {  	v7 =	vld.idx.msk [tilespmem:v5+s21+$0x0 ss:$0x1], $0xffff  }
.Ltmp1:
0x7a: {  	v8 =	vld.idx.msk [tilespmem:v8+s10+$0x0], $0xffff;
	(pc) =	sbr.rel @p0 .LBB2_6-.Ltmp1, $4  }
0x7b: {  	_ = 	snop  }
0x7c: {  	v9 =	vld.idx.msk [tilespmem:v4+s21+$0x0 ss:$0x1], $0xffff  }
0x7d: {  	s25 =	sadd.s32 $0x10, s25  }
0x7e: {  	v10 =	vmov s25;
	s26 =	sadd.s32 $0x40, s26  }
0x7f: {  	v10 =	vshll.u32 v10, $0x5  }
0x80: {  	v7 =	vmul.f32 v7, v8;
	v10 =	vor.u32 v3, v10  }
0x81: {  	v6 =	vadd.s32 v6, v10  }
0x82: {  	v7 =	vadd.f32 v7, v9;
	_ =	sdelay $0x1  }
0x83: {  	s24 =	sshra.s32 s24, $0x2;
	[tilespmem:v4+s21+$0x0 ss:$0x1] =	vst.idx.msk $0xffff, v7  }
0x84: {  	v5 =	vld.idx.msk [tilespmem:v5+s24+$0x0 ss:$0x1], $0xffff  }
0x85: {  	v6 =	vld.idx.msk [tilespmem:v6+s10+$0x0], $0xffff;
	_ =	sdelay $0x1  }
0x86: {  	v7 =	vld.idx.msk [tilespmem:v4+s24+$0x0 ss:$0x1], $0xffff  }
0x87: {  	s22 =	sadd.s32 $0x1, s22  }
0x88: {  	p0 =	sne.s32 s22, s20  }
.Ltmp2:
0x89: {  	v5 =	vmul.f32 v5, v6;
	(pc) =	sbr.rel @p0 .LBB2_5-.Ltmp2, $3  }
0x8a: {  	_ = 	snop  }
0x8b: {  	v5 =	vadd.f32 v5, v7;
	_ =	sdelay $0x1  }
0x8c: {  	s23 =	sadd.s32 $0x80, s23;
	[tilespmem:v4+s24+$0x0 ss:$0x1] =	vst.idx.msk $0xffff, v5  }
0x8d: {  	s17 =	sadd.s32 $0x1, s17  }
0x8e: {  	p0 =	sne.s32 s17, $0x10  }
.Ltmp3:
0x8f: {  	_ = 	snop;
	(pc) =	sbr.rel @p0 .LBB2_2-.Ltmp3, $2  }
0x90: {  	_ =	sdelay $0x2  }
0x91: {  	s16 =	sadd.s32 $0x20, s16  }
0x92: {  	s15 =	sadd.s32 $0x1, s15  }
0x93: {  	p0 =	sne.s32 s15, s8  }
.Ltmp4:
0x94: {  	_ = 	snop;
	(pc) =	sbr.rel @p0 .LBB2_1-.Ltmp4, $4  }
0x95: {  	[hbm4b:s7+s2] =	stream.linear.scatter [tilespmem:s14], [sflag:$0x2], $0x200, $0x38;
	[tilespmem:$0x8A00] =	vst v63  }
0x96: {  	_ =	swait.ge [sflag:s9], $0x200  }
0x97: {  	[sflag:s9] =	ssyncset.done $0x0  }
0x98: {  	[sflag:s9] =	ssyncadd.s32 $0xFFFFFE00  }
0x99: {  	_ =	sfence.sel $0x180000  }
0x9a: {  	[bflag:$0x0] =	sbarrier.arrive $0xFFFF  }
0x9b: {  	p0 =	sne.s32 s0, $0x0;
	_ =	strace $0x90000047  }
0x9c: {  	s0 =	sadd.s32 @!p0 $0x100000, s1;
	[bflag:$0x2] =	sbarrier.arrive $0xFFFF  }
0x9d: {  	[sflag:s0] =	ssyncadd.tile.s32 @!p0 $0x1;
	_ =	shalt  }
.Lfunc_end2:
_tile_overlayer_lowered:
.L_overlay_start_2:
0x9e: {  	(tag) =	ssettag $0x2  }
0x9f: {  	s0 =	rddreg [dreg:$0x0];
	s2 =	stileid.u32  }
0xa0: {  	s1 =	rddreg [dreg:$0x1];
	p0 =	sne.s32 s2, $0x0  }
0xa1: {  	s3 =	rddreg [dreg:$0x2];
	[bflag:$0x3] =	sbarrier.arrive $0xFFFF;
	s2 =	simm.s32 @!p0 $0x1C02  }
0xa2: {  	[timem:s3], [sflag:s2] =	dma.local @!p0 [hbm:s0], s1  }
0xa3: {  	s0 =	simm.s32 @!p0 $0x2  }
0xa4: {  	_ =	swait.ge @!p0 [sflag:s0], s1  }
0xa5: {  	s1 =	ssub.s32 @!p0 $0x0, s1;
	[sflag:s0] =	ssyncset.done @!p0 $0x0  }
0xa6: {  	[sflag:s0] =	ssyncadd.s32 @!p0 s1  }
0xa7: {  	[bflag:$0x3] =	sbarrier.arrive $0xFFFF  }
0xa8: {  	_ =	shalt  }

// kernel: kernel.8.cloned.1.call-start
scs
__scs_entry_jumppad:
0x0: {  	(pc) =	sbr.rel $0x88, $3  }
0x1: {  	(tag) =	ssettag $0x0;
	lr =	simm.s32 $0x1  }
0x2: {  	[smem:$0x3F97] =	sst lr;
	_ =	strace $0xD0000000  }
0x3: {  	_ = 	snop  }
0x4: {  	_ = 	snop  }
0x5: {  	_ = 	snop  }
0x6: {  	_ = 	snop  }
0x7: {  	_ = 	snop  }
__scs_overlays_trampoline_lowered:
0x8: {  	[smem:$0x3FA6] =	sst s0  }
0x9: {  	[smem:$0x3FA7] =	sst s1  }
0xa: {  	[smem:$0x3FA8] =	sst s2  }
0xb: {  	[smem:$0x3FA9] =	sst s3  }
0xc: {  	[smem:$0x3FAA] =	sst s4  }
0xd: {  	[smem:$0x3FAB] =	sst s5  }
0xe: {  	[smem:$0x3FAC] =	sst s6  }
0xf: {  	[smem:$0x3FAD] =	sst s7  }
0x10: {  	[smem:$0x3FAE] =	sst s8  }
0x11: {  	[smem:$0x3FAF] =	sst s9;
	s0 =	simm.s32 @!p0 $0x0  }
0x12: {  	s1 =	sld [smem:$0x3F95];
	s0 =	simm.s32 @p0 $0x1  }
0x13: {  	[smem:$0x3FB0] =	sst s0;
	s0 =	simm.s32 @!p1 $0x0  }
0x14: {  	s2 =	sld [smem:$0x3F94];
	s0 =	simm.s32 @p1 $0x1  }
0x15: {  	[smem:$0x3FB1] =	sst s0;
	s0 =	simm.s32 @!p2 $0x0  }
0x16: {  	s3 =	sld [smem:$0x3FDB];
	s0 =	simm.s32 @p2 $0x1  }
0x17: {  	s4 =	simm.s32 $0x1BF5;
	[smem:$0x3FB3] =	sst s0  }
0x18: {  	s0 =	sld [smem:$0x3F96];
	_ =	swait.ge [sflag:s4], $0x0  }
0x19: {  	s7 =	sld [smem:$0x3F97]  }
0x1a: {  	s8 =	sadd.s32 $0xFFFFE003, lr  }
0x1b: {  	s9 =	sadd.s32 $0xFFFFFEF7, lr;
	s5 =	simm.s32 $0xFFFFFFFF;
	p2 =	slt.u32 s8, $0xFFFFF086  }
0x1c: {  	p1 =	slt.u32 s9, $0xF7A;
	s5 =	simm.s32 @!p2 $0x0  }
0x1d: {  	s5 =	simm.s32 @p1 $0x1;
	p0 =	seq.s32 s7, s2  }
0x1e: {  	s7 =	smul.u32 @!p0 $0xF7A, s2;
	p2 =	seq.s32 @!p0 s5, $0x0  }
0x1f: {  	s9 =	smul.u32 $0xF7A, s1;
	s8 =	simm.s32 @!p0 $0x1BF5;
	p2 =	por !p2, p0  }
0x20: {  	[sflag:s8] =	ssyncset.s32 @!p0 $0xFFFFF086;
	s6 =	sadd.s32 @!p0 s3, s7;
	s7 =	simm.s32 @!p0 $0x108  }
0x21: {  	s3 =	sadd.s32 s3, s9;
	s6 =	sadd.s32 @!p0 $0x88, s6;
	s7 =	simm.s32 @p2 $0x1082  }
0x22: {  	[simem:s7], [sflag:s8] =	dma.local @!p0 [hbm:s6], $0xF7A  }
0x23: {  	s9 =	sor.u32 $0xD0000000, s2;
	s6 =	simm.s32 $0x108;
	_ =	swait.ge @!p0 [sflag:s8], $0x0  }
0x24: {  	s3 =	sadd.s32 $0x88, s3;
	s6 =	simm.s32 @!p1 $0x1082;
	[sflag:s4] =	ssyncset.s32 $0xFFFFF086  }
0x25: {  	[simem:s6], [sflag:s4] =	dma.local [hbm:s3], $0xF7A  }
0x26: {  	[smem:$0x3F97] =	sst s1;
	(tag) =	ssettag s2;
	_ =	strace s9  }
0x27: {  	s1 =	sld [smem:$0x3FA7]  }
0x28: {  	s2 =	sld [smem:$0x3FA8]  }
0x29: {  	s4 =	sld [smem:$0x3FAA]  }
0x2a: {  	p0 =	seq.s32 s5, $0x0;
	s5 =	sld [smem:$0x3FAB]  }
0x2b: {  	s6 =	sld [smem:$0x3FAC]  }
0x2c: {  	s7 =	sld [smem:$0x3FAD]  }
0x2d: {  	s3 =	simm.s32 $0x108;
	s8 =	sld [smem:$0x3FAE]  }
0x2e: {  	s3 =	simm.s32 @!p0 $0x1082;
	s9 =	sld [smem:$0x3FAF]  }
0x2f: {  	lr =	sadd.s32 s0, s3;
	s0 =	sld [smem:$0x3FA6]  }
0x30: {  	s3 =	sld [smem:$0x3FA9]  }
0x31: {  	[smem:$0x3FB2] =	sst s10  }
0x32: {  	s10 =	sld [smem:$0x3FB0];
	_ =	sdelay $0x3  }
0x33: {  	p0 =	seq.s32 s10, $0x1;
	s10 =	sld [smem:$0x3FB2];
	_ =	sdelay $0x3  }
0x34: {  	[smem:$0x3FB2] =	sst s10  }
0x35: {  	s10 =	sld [smem:$0x3FB1];
	_ =	sdelay $0x3  }
0x36: {  	p1 =	seq.s32 s10, $0x1;
	s10 =	sld [smem:$0x3FB2];
	_ =	sdelay $0x3  }
0x37: {  	[smem:$0x3FB2] =	sst s10  }
0x38: {  	s10 =	sld [smem:$0x3FB3]  }
0x39: {  	_ = 	snop;
	(pc) =	sbr.ind lr, $3  }
0x3a: {  	_ = 	snop  }
0x3b: {  	_ = 	snop  }
0x3c: {  	p2 =	seq.s32 s10, $0x1;
	s10 =	sld [smem:$0x3FB2]  }
0x3d: {  	_ =	shalt  }
0x3e: {  	_ =	shalt  }
0x3f: {  	_ =	shalt  }
0x40: {  	_ =	shalt  }
0x41: {  	_ =	shalt  }
0x42: {  	_ =	shalt  }
0x43: {  	_ =	shalt  }
0x44: {  	_ =	shalt  }
0x45: {  	_ =	shalt  }
0x46: {  	_ =	shalt  }
0x47: {  	_ =	shalt  }
0x48: {  	_ =	shalt  }
0x49: {  	_ =	shalt  }
0x4a: {  	_ =	shalt  }
0x4b: {  	_ =	shalt  }
0x4c: {  	_ =	shalt  }
0x4d: {  	_ =	shalt  }
0x4e: {  	_ =	shalt  }
0x4f: {  	_ =	shalt  }
0x50: {  	_ =	shalt  }
0x51: {  	_ =	shalt  }
0x52: {  	_ =	shalt  }
0x53: {  	_ =	shalt  }
0x54: {  	_ =	shalt  }
0x55: {  	_ =	shalt  }
0x56: {  	_ =	shalt  }
0x57: {  	_ =	shalt  }
0x58: {  	_ =	shalt  }
0x59: {  	_ =	shalt  }
0x5a: {  	_ =	shalt  }
0x5b: {  	_ =	shalt  }
0x5c: {  	_ =	shalt  }
0x5d: {  	_ =	shalt  }
0x5e: {  	_ =	shalt  }
0x5f: {  	_ =	shalt  }
0x60: {  	_ =	shalt  }
0x61: {  	_ =	shalt  }
0x62: {  	_ =	shalt  }
0x63: {  	_ =	shalt  }
0x64: {  	_ =	shalt  }
0x65: {  	_ =	shalt  }
0x66: {  	_ =	shalt  }
0x67: {  	_ =	shalt  }
0x68: {  	_ =	shalt  }
0x69: {  	_ =	shalt  }
0x6a: {  	_ =	shalt  }
0x6b: {  	_ =	shalt  }
0x6c: {  	_ =	shalt  }
0x6d: {  	_ =	shalt  }
0x6e: {  	_ =	shalt  }
0x6f: {  	_ =	shalt  }
0x70: {  	_ =	shalt  }
0x71: {  	_ =	shalt  }
0x72: {  	_ =	shalt  }
0x73: {  	_ =	shalt  }
0x74: {  	_ =	shalt  }
0x75: {  	_ =	shalt  }
0x76: {  	_ =	shalt  }
0x77: {  	_ =	shalt  }
0x78: {  	_ =	shalt  }
0x79: {  	_ =	shalt  }
0x7a: {  	_ =	shalt  }
0x7b: {  	_ =	shalt  }
0x7c: {  	_ =	shalt  }
0x7d: {  	_ =	shalt  }
0x7e: {  	_ =	shalt  }
0x7f: {  	_ =	shalt  }
0x80: {  	_ =	shalt  }
0x81: {  	_ =	shalt  }
0x82: {  	_ =	shalt  }
0x83: {  	_ =	shalt  }
0x84: {  	_ =	shalt  }
0x85: {  	_ =	shalt  }
0x86: {  	_ =	shalt  }
0x87: {  	_ =	shalt  }
.Lfunc_end0:
.L_simem_size_0:
called_computation.1_lowered:
.L_overlay_start_0:
0x88: {  	s2 =	sld [smem:$0x3FD9]  }
0x89: {  	s3 =	sld [smem:$0x3FFE];
	_ =	sdelay $0x1  }
0x8a: {  	s1 =	srdreg.scid  }
0x8b: {  	s0 =	sand.u32 $0x1, s1  }
0x8c: {  	s16 =	sshll.u32 s0, $0xA;
	s2 =	sadd.s32 s3, s2  }
0x8d: {  	s2 =	sadd.s32 s2, s16  }
0x8e: {  	[smem:$0x3FBE] =	sst s2  }
0x8f: {  	_ = 	snop  }
0x90: {  	(tm) =	ssettm $0x1  }
0x91: {  	s17 =	sld [smem:$0x3FFB];
	_ =	sdelay $0x3  }
0x92: {  	_ =	strace s17  }
0x93: {  	s2 =	sld [smem:$0x3FFC];
	_ =	sdelay $0x3  }
0x94: {  	_ =	strace s2  }
0x95: {  	s2 =	sld [smem:$0x3FFD];
	_ =	sdelay $0x3  }
0x96: {  	_ =	strace s2  }
0x97: {  	_ =	strace $0x8FFFFFFF  }
0x98: {  	s18 =	sld [smem:$0x3FDB];
	_ =	sdelay $0x1  }
0x99: {  	s19 =	simm.s32 $_scs_section_size  }
0x9a: {  	s4 =	simm.s32 $_size__tile_overlayer_lowered;
	s5 =	simm.s32 $_tile_overlayer_lowered  }
0x9b: {  	s22 =	simm.s32 $0x1BFF;
	s21 =	sshll.u32 s5, $0x1;
	s2 =	sadd.s32 s19, s18  }
0x9c: {  	s6 =	simm.s32 $0x0;
	s20 =	sshll.u32 s4, $0x1;
	s4 =	sadd.s32 s21, s2  }
0x9d: {  	[timem:s6], [sflag:s22] =	dma.local [hbm:s4], s20  }
0x9e: {  	_ =	swait.ge [sflag:s22], s20  }
0x9f: {  	s3 =	ssub.s32 $0x0, s20;
	[sflag:s22] =	ssyncset.done $0x0  }
0xa0: {  	[sflag:s22] =	ssyncadd.s32 s3;
	_ =	sdelay $0x1  }
0xa1: {  	s23 =	simm.s32 $0x1B8B  }
0xa2: {  	_ =	swait.ge [sflag:s23], $0x1  }
0xa3: {  	[sflag:s23] =	ssyncset.done $0x0  }
0xa4: {  	s25 =	simm.s32 $0x1B8E;
	s24 =	sld [smem:$0x3FFE];
	[sflag:s23] =	ssyncadd.s32 $0xFFFFFFFF  }
0xa5: {  	s26 =	simm.s32 $execute0_lowered;
	[smem:$0x3FD2] =	sst s25  }
0xa6: {  	s4 =	sshll.u32 s26, $0x1;
	_ =	strace $0x80000049;
	[dreg:$0x1] =	wrdreg $0xFFFFFFFF  }
0xa7: {  	s28 =	simm.s32 $_size_execute0_lowered;
	s2 =	sadd.s32 s2, s4;
	[dreg:$0x0] =	wrdreg $0x0  }
0xa8: {  	s4 =	sshll.u32 s28, $0x1;
	[dreg:$0x2] =	wrdreg s2  }
0xa9: {  	[dreg:$0x3] =	wrdreg s4  }
0xaa: {  	[dreg:$0x4] =	wrdreg $0xC0  }
0xab: {  	_ =	task [dreg:s6], $0x5FFFF  }
0xac: {  	[dreg:$0x1] =	wrdreg $0xFFFFFFFF  }
0xad: {  	[dreg:$0x0] =	wrdreg $0x60  }
0xae: {  	[dreg:$0x2] =	wrdreg s24  }
0xaf: {  	[dreg:$0x3] =	wrdreg $0x9  }
0xb0: {  	_ =	task.clear_ibuf [dreg:s6], $0x4FFFF;
	_ =	strace $0x90000049  }
0xb1: {  	s29 =	simm.s32 $0x9;
	_ =	strace $0x8000004B  }
0xb2: {  	_ =	swait.ge [sflag:s29], $0x1  }
0xb3: {  	[sflag:s29] =	ssyncadd.s32 $0xFFFFFFFF  }
0xb4: {  	_ =	strace $0x9000004B  }
0xb5: {  	_ =	sfence  }
0xb6: {  	s30 =	sld [smem:$0x0];
	_ =	sdelay $0x2  }
0xb7: {  	s31 =	sshll.u32 s1, $0xD;
	s1 =	sshrl.u32 s1, $0x2  }
0xb8: {  	s3 =	sand.u32 $0x4000, s31;
	s1 =	sadd.s32 s1, s30  }
0xb9: {  	s0 =	sor.u32 s3, s0;
	s1 =	sshll.u32 s1, $0x11  }
0xba: {  	s0 =	sor.u32 s1, s0  }
0xbb: {  	s0 =	sadd.s32 $0x8F2B, s0  }
0xbc: {  	[sflag:s0] =	ssyncadd.remote.s32 $0x1  }
0xbd: {  	_ =	sfence.sel $0xFFFF  }
0xbe: {  	[dreg:$0x0] =	wrdreg $0xFFFFFFFF;
	(pc) =	sbr.abs _section_cstart, $3  }
0xbf: {  	[dreg:$0x1] =	wrdreg $0xFFFFFFFF  }
0xc0: {  	_ =	task.clear_ibuf [dreg:s6], $0x2FFFF;
	_ =	strace $0x9FFFFFFF  }
0xc1: {  	(tm) =	ssettm $0x7FFFFFFF  }
tec
execute0_lowered:
.L_overlay_start_1:
0x0: {  	(tag) =	ssettag $0x1  }
0x1: {  	s0 =	rddreg [dreg:$0x0]  }
0x2: {  	s1 =	srdreg.scid;
	s8 =	stileid.u32;
	s2 =	simm.s32 $0x0  }
0x3: {  	s28 =	simm.s32 $0x800;
	s1 =	sand.u32 $0x1, s1;
	s3 =	sshll.u32 s8, $0x1  }
0x4: {  	s29 =	simm.s32 $0x1;
	[smem:$0x7FF] =	sst s2;
	s3 =	sor.u32 s1, s3  }
0x5: {  	s5 =	sadd.s32 $0x80000, s0;
	s4 =	sshll.u32 s3, $0xD;
	s3 =	sshll.u32 s3, $0xB  }
0x6: {  	s30 =	simm.s32 $0x4800;
	_ =	strace $0x8000004A;
	s3 =	sadd.s32 s5, s3  }
0x7: {  	s6 =	sadd.s32 s4, s0;
	[dreg:$0x3] =	wrdreg s3;
	s3 =	sadd.s32 $0x780, s3  }
0x8: {  	s31 =	simm.s32 $0x10;
	s7 =	sadd.s32 $0x111800, s6;
	[dreg:$0x4] =	wrdreg s3  }
0x9: {  	s19 =	sshll.u32 s8, $0xF;
	s9 =	sadd.s32 $0x151800, s6;
	[dreg:$0x5] =	wrdreg s7  }
0xa: {  	s8 =	simm.s32 $0x3000;
	s11 =	sadd.s32 $0x111804, s6;
	[dreg:$0x6] =	wrdreg s9  }
0xb: {  	s10 =	ssub.s32 $0x2, s1;
	s13 =	sadd.s32 $0x111808, s6;
	[dreg:$0x8] =	wrdreg s11  }
0xc: {  	s1 =	sshll.u32 s1, $0xE;
	s14 =	sadd.s32 $0x11180A, s6;
	[dreg:$0xa] =	wrdreg s13  }
0xd: {  	s12 =	sshrl.u32 s10, $0x1;
	s15 =	sadd.s32 $0x11180C, s6;
	[dreg:$0xb] =	wrdreg s14  }
0xe: {  	s4 =	sadd.s32 $0xFD2400, s0;
	s26 =	sadd.s32 $0x90000, s6;
	[dreg:$0xc] =	wrdreg s15  }
0xf: {  	s0 =	sor.u32 s1, s19;
	s16 =	sadd.s32 $0x11180E, s6;
	[dreg:$0x2] =	wrdreg s26  }
0x10: {  	s19 =	simm.s32 $0x0;
	s17 =	sadd.s32 $0x151802, s6;
	[dreg:$0xd] =	wrdreg s16  }
0x11: {  	s18 =	sadd.s32 $0x151804, s6;
	s20 =	sadd.s32 $0x151806, s6;
	[dreg:$0xe] =	wrdreg s17  }
0x12: {  	s21 =	sadd.s32 $0x151808, s6;
	s23 =	sadd.s32 $0x15180A, s6;
	[dreg:$0xf] =	wrdreg s18  }
0x13: {  	s24 =	sor.u32 $0x800, s0;
	s25 =	sadd.s32 $0x15180C, s6;
	[dreg:$0x10] =	wrdreg s20  }
0x14: {  	s0 =	sor.u32 $0x400, s0;
	s7 =	sadd.s32 $0x111802, s6;
	[dreg:$0x11] =	wrdreg s21  }
0x15: {  	s9 =	sadd.s32 $0x111806, s6;
	s3 =	ssub.s32 s10, s12;
	[dreg:$0x13] =	wrdreg s23  }
0x16: {  	[dreg:$0x14] =	wrdreg s25;
	s1 =	sshrl.u32 s24, $0x3;
	s26 =	sadd.s32 $0x15180E, s6  }
0x17: {  	s0 =	sshrl.u32 s0, $0x3;
	s25 =	simm.s32 $0x3;
	s6 =	simm.s32 $0x2000  }
0x18: {  	s10 =	simm.s32 $0x4000;
	s11 =	simm.s32 $0x2;
	s12 =	simm.s32 $0x5000  }
0x19: {  	s13 =	simm.s32 $0x6000;
	s14 =	simm.s32 $0x6800;
	[dreg:$0x7] =	wrdreg s7  }
0x1a: {  	s15 =	simm.s32 $0x7000;
	s16 =	simm.s32 $0x7800;
	[dreg:$0x9] =	wrdreg s9  }
0x1b: {  	s17 =	simm.s32 $0x8000;
	s22 =	smax.u32 s3, $0x1;
	[dreg:$0x15] =	wrdreg s26  }
0x1c: {  	s1 =	sadd.s32 s1, s5;
	s0 =	sadd.s32 s0, s5;
	s26 =	simm.s32 $0x400  }
0x1d: {  	s5 =	simm.s32 $0x1800;
	s7 =	simm.s32 $0x2800;
	[dreg:$0x12] =	wrdreg s22  }
0x1e: {  	s9 =	simm.s32 $0x3800;
	s3 =	simm.s32 $0x5800;
	[dreg:$0x16] =	wrdreg s1  }
0x1f: {  	[dreg:$0x17] =	wrdreg s0;
	s0 =	simm.s32 $0x80;
	s1 =	simm.s32 $0x1000  }
.LBB2_1:
0x20: {  	[dreg:$0x18] =	wrdreg s19  }
0x21: {  	s18 =	rddreg [dreg:$0x3]  }
0x22: {  	[tilespmem:s2], [sflag:$0x3] =	stream.linear.gather [hbm4b:s18+s2], $0x400, $0x38;
	[tilespmem:$0x8800] =	vst v63  }
0x23: {  	_ =	swait.ge [sflag:s25], $0x400  }
0x24: {  	[sflag:s25] =	ssyncset.done $0x0  }
0x25: {  	[sflag:s25] =	ssyncadd.s32 $0xFFFFFC00  }
0x26: {  	[tilespmem:s28], [sflag:$0x1] =	stream.indirect.gather [hbm4b:s4+s26], $0x10, s2, s26, $0xb8;
	[tilespmem:$0x8800] =	vst v63  }
0x27: {  	_ =	swait.ge [sflag:s29], $0x4000  }
0x28: {  	[sflag:s29] =	ssyncset.done $0x0  }
0x29: {  	s18 =	rddreg [dreg:$0x17];
	[sflag:s29] =	ssyncadd.s32 $0xFFFFC000  }
0x2a: {  	[tilespmem:s26], [sflag:$0x3] =	stream.linear.gather [hbm4b:s18+s2], $0x400, $0x38;
	[tilespmem:$0x8800] =	vst v63  }
0x2b: {  	s20 =	sand.u32 $0x1800, s2;
	_ =	swait.ge [sflag:s25], $0x400  }
0x2c: {  	s21 =	simm.s32 $0x0;
	[sflag:s25] =	ssyncset.done $0x0;
	s22 =	rddreg [dreg:$0x2]  }
0x2d: {  	s21 =	sand.u32 $0x80000, s21;
	[sflag:s25] =	ssyncadd.s32 $0xFFFFFC00;
	s20 =	sadd.s32 s20, s22  }
0x2e: {  	[tilespmem:s30], [sflag:$0x2] =	stream.indirect.gather [hbm4b:s4+s26], $0x10, s26, s26, $0xb8;
	[tilespmem:$0x8800] =	vst v63  }
0x2f: {  	s19 =	sadd.s32 s21, s20  }
0x30: {  	[hbm4b:s19+s31] =	stream.strided.scatter [tilespmem:s28], [sflag:$0x3], $0x800, s0, s31, $0x38;
	[tilespmem:$0x8800] =	vst v63  }
0x31: {  	_ =	swait.ge [sflag:s25], $0x800  }
0x32: {  	[sflag:s25] =	ssyncset.done $0x0  }
0x33: {  	s21 =	sadd.s32 $0x2, s19;
	[sflag:s25] =	ssyncadd.s32 $0xFFFFF800  }
0x34: {  	[hbm4b:s21+s31] =	stream.strided.scatter [tilespmem:s1], [sflag:$0x3], $0x800, s0, s31, $0x38;
	[tilespmem:$0x8800] =	vst v63  }
0x35: {  	_ =	swait.ge [sflag:s25], $0x800  }
0x36: {  	[sflag:s25] =	ssyncset.done $0x0  }
0x37: {  	s23 =	sadd.s32 $0x4, s19;
	[sflag:s25] =	ssyncadd.s32 $0xFFFFF800  }
0x38: {  	[hbm4b:s23+s31] =	stream.strided.scatter [tilespmem:s5], [sflag:$0x3], $0x800, s0, s31, $0x38;
	[tilespmem:$0x8800] =	vst v63  }
0x39: {  	_ =	swait.ge [sflag:s25], $0x800  }
0x3a: {  	[sflag:s25] =	ssyncset.done $0x0  }
0x3b: {  	s24 =	sadd.s32 $0x6, s19;
	[sflag:s25] =	ssyncadd.s32 $0xFFFFF800  }
0x3c: {  	[hbm4b:s24+s31] =	stream.strided.scatter [tilespmem:s6], [sflag:$0x3], $0x800, s0, s31, $0x38;
	[tilespmem:$0x8800] =	vst v63  }
0x3d: {  	_ =	swait.ge [sflag:s25], $0x800  }
0x3e: {  	[sflag:s25] =	ssyncset.done $0x0  }
0x3f: {  	s22 =	sadd.s32 $0x8, s19;
	[sflag:s25] =	ssyncadd.s32 $0xFFFFF800  }
0x40: {  	[hbm4b:s22+s31] =	stream.strided.scatter [tilespmem:s7], [sflag:$0x3], $0x800, s0, s31, $0x38;
	[tilespmem:$0x8800] =	vst v63  }
0x41: {  	_ =	swait.ge [sflag:s25], $0x800  }
0x42: {  	[sflag:s25] =	ssyncset.done $0x0  }
0x43: {  	s23 =	sadd.s32 $0xA, s19;
	[sflag:s25] =	ssyncadd.s32 $0xFFFFF800  }
0x44: {  	[hbm4b:s23+s31] =	stream.strided.scatter [tilespmem:s8], [sflag:$0x3], $0x800, s0, s31, $0x38;
	[tilespmem:$0x8800] =	vst v63  }
0x45: {  	_ =	swait.ge [sflag:s25], $0x800  }
0x46: {  	[sflag:s25] =	ssyncset.done $0x0  }
0x47: {  	s24 =	sadd.s32 $0xC, s19;
	[sflag:s25] =	ssyncadd.s32 $0xFFFFF800  }
0x48: {  	[hbm4b:s24+s31] =	stream.strided.scatter [tilespmem:s9], [sflag:$0x3], $0x800, s0, s31, $0x38;
	[tilespmem:$0x8800] =	vst v63  }
0x49: {  	_ =	swait.ge [sflag:s25], $0x800  }
0x4a: {  	[sflag:s25] =	ssyncset.done $0x0  }
0x4b: {  	s19 =	sadd.s32 $0xE, s19;
	[sflag:s25] =	ssyncadd.s32 $0xFFFFF800  }
0x4c: {  	[hbm4b:s19+s31] =	stream.strided.scatter [tilespmem:s10], [sflag:$0x3], $0x800, s0, s31, $0x38;
	[tilespmem:$0x8800] =	vst v63  }
0x4d: {  	_ =	swait.ge [sflag:s25], $0x800  }
0x4e: {  	[sflag:s25] =	ssyncset.done $0x0  }
0x4f: {  	[sflag:s25] =	ssyncadd.s32 $0xFFFFF800  }
0x50: {  	_ =	swait.ge [sflag:s11], $0x4000  }
0x51: {  	[sflag:s11] =	ssyncset.done $0x0  }
0x52: {  	s23 =	rddreg [dreg:$0x16];
	[sflag:s11] =	ssyncadd.s32 $0xFFFFC000  }
0x53: {  	[tilespmem:s2], [sflag:$0x3] =	stream.linear.gather [hbm4b:s23+s2], $0x400, $0x38;
	[tilespmem:$0x8800] =	vst v63  }
0x54: {  	_ =	swait.ge [sflag:s25], $0x400  }
0x55: {  	s19 =	simm.s32 $0x40000;
	[sflag:s25] =	ssyncset.done $0x0  }
0x56: {  	s22 =	sand.u32 $0xC0000, s19;
	[sflag:s25] =	ssyncadd.s32 $0xFFFFFC00  }
0x57: {  	[tilespmem:s28], [sflag:$0x1] =	stream.indirect.gather [hbm4b:s4+s26], $0x10, s2, s26, $0xb8;
	[tilespmem:$0x8800] =	vst v63  }
0x58: {  	s20 =	sadd.s32 s22, s20  }
0x59: {  	[hbm4b:s20+s31] =	stream.strided.scatter [tilespmem:s30], [sflag:$0x3], $0x800, s0, s31, $0x38;
	[tilespmem:$0x8800] =	vst v63  }
0x5a: {  	_ =	swait.ge [sflag:s25], $0x800  }
0x5b: {  	[sflag:s25] =	ssyncset.done $0x0  }
0x5c: {  	s21 =	sadd.s32 $0x2, s20;
	[sflag:s25] =	ssyncadd.s32 $0xFFFFF800  }
0x5d: {  	[hbm4b:s21+s31] =	stream.strided.scatter [tilespmem:s12], [sflag:$0x3], $0x800, s0, s31, $0x38;
	[tilespmem:$0x8800] =	vst v63  }
0x5e: {  	_ =	swait.ge [sflag:s25], $0x800  }
0x5f: {  	[sflag:s25] =	ssyncset.done $0x0  }
0x60: {  	s24 =	sadd.s32 $0x4, s20;
	[sflag:s25] =	ssyncadd.s32 $0xFFFFF800  }
0x61: {  	[hbm4b:s24+s31] =	stream.strided.scatter [tilespmem:s3], [sflag:$0x3], $0x800, s0, s31, $0x38;
	[tilespmem:$0x8800] =	vst v63  }
0x62: {  	_ =	swait.ge [sflag:s25], $0x800  }
0x63: {  	[sflag:s25] =	ssyncset.done $0x0  }
0x64: {  	s22 =	sadd.s32 $0x6, s20;
	[sflag:s25] =	ssyncadd.s32 $0xFFFFF800  }
0x65: {  	[hbm4b:s22+s31] =	stream.strided.scatter [tilespmem:s13], [sflag:$0x3], $0x800, s0, s31, $0x38;
	[tilespmem:$0x8800] =	vst v63  }
0x66: {  	_ =	swait.ge [sflag:s25], $0x800  }
0x67: {  	[sflag:s25] =	ssyncset.done $0x0  }
0x68: {  	s24 =	sadd.s32 $0x8, s20;
	[sflag:s25] =	ssyncadd.s32 $0xFFFFF800  }
0x69: {  	[hbm4b:s24+s31] =	stream.strided.scatter [tilespmem:s14], [sflag:$0x3], $0x800, s0, s31, $0x38;
	[tilespmem:$0x8800] =	vst v63  }
0x6a: {  	_ =	swait.ge [sflag:s25], $0x800  }
0x6b: {  	[sflag:s25] =	ssyncset.done $0x0  }
0x6c: {  	s22 =	sadd.s32 $0xA, s20;
	[sflag:s25] =	ssyncadd.s32 $0xFFFFF800  }
0x6d: {  	[hbm4b:s22+s31] =	stream.strided.scatter [tilespmem:s15], [sflag:$0x3], $0x800, s0, s31, $0x38;
	[tilespmem:$0x8800] =	vst v63  }
0x6e: {  	_ =	swait.ge [sflag:s25], $0x800  }
0x6f: {  	[sflag:s25] =	ssyncset.done $0x0  }
0x70: {  	s24 =	sadd.s32 $0xC, s20;
	[sflag:s25] =	ssyncadd.s32 $0xFFFFF800  }
0x71: {  	[hbm4b:s24+s31] =	stream.strided.scatter [tilespmem:s16], [sflag:$0x3], $0x800, s0, s31, $0x38;
	[tilespmem:$0x8800] =	vst v63  }
0x72: {  	_ =	swait.ge [sflag:s25], $0x800  }
0x73: {  	[sflag:s25] =	ssyncset.done $0x0  }
0x74: {  	s20 =	sadd.s32 $0xE, s20;
	[sflag:s25] =	ssyncadd.s32 $0xFFFFF800  }
0x75: {  	[hbm4b:s20+s31] =	stream.strided.scatter [tilespmem:s17], [sflag:$0x3], $0x800, s0, s31, $0x38;
	[tilespmem:$0x8800] =	vst v63  }
0x76: {  	_ =	swait.ge [sflag:s25], $0x800  }
0x77: {  	[sflag:s25] =	ssyncset.done $0x0  }
0x78: {  	[sflag:s25] =	ssyncadd.s32 $0xFFFFF800  }
0x79: {  	_ =	swait.ge [sflag:s29], $0x4000  }
0x7a: {  	s21 =	sadd.s32 $0x100, s18;
	s20 =	simm.s32 $0x400;
	[sflag:s29] =	ssyncset.done $0x0  }
.LBB2_2:
0x7b: {  	[sflag:s29] =	ssyncadd.s32 $0xFFFFC000;
	s22 =	smov.u32 s20  }
0x7c: {  	[tilespmem:s26], [sflag:$0x3] =	stream.linear.gather [hbm4b:s21+s2], $0x400, $0x38;
	[tilespmem:$0x8800] =	vst v63  }
0x7d: {  	s19 =	sadd.s32 $0x80000, s19;
	s22 =	sand.u32 $0x1800, s22;
	_ =	swait.ge [sflag:s25], $0x400  }
0x7e: {  	s18 =	sadd.s32 $0xFFFC0000, s19;
	[sflag:s25] =	ssyncset.done $0x0;
	s24 =	rddreg [dreg:$0x2]  }
0x7f: {  	s18 =	sand.u32 $0x80000, s18;
	[sflag:s25] =	ssyncadd.s32 $0xFFFFFC00;
	s24 =	sadd.s32 s22, s24  }
0x80: {  	[tilespmem:s30], [sflag:$0x2] =	stream.indirect.gather [hbm4b:s4+s26], $0x10, s26, s26, $0xb8;
	[tilespmem:$0x8800] =	vst v63  }
0x81: {  	s22 =	sadd.s32 s18, s24  }
0x82: {  	[hbm4b:s22+s31] =	stream.strided.scatter [tilespmem:s28], [sflag:$0x3], $0x800, s0, s31, $0x38;
	[tilespmem:$0x8800] =	vst v63  }
0x83: {  	_ =	swait.ge [sflag:s25], $0x800  }
0x84: {  	[sflag:s25] =	ssyncset.done $0x0  }
0x85: {  	s18 =	sadd.s32 $0x2, s22;
	[sflag:s25] =	ssyncadd.s32 $0xFFFFF800  }
0x86: {  	[hbm4b:s18+s31] =	stream.strided.scatter [tilespmem:s1], [sflag:$0x3], $0x800, s0, s31, $0x38;
	[tilespmem:$0x8800] =	vst v63  }
0x87: {  	_ =	swait.ge [sflag:s25], $0x800  }
0x88: {  	[sflag:s25] =	ssyncset.done $0x0  }
0x89: {  	s18 =	sadd.s32 $0x4, s22;
	[sflag:s25] =	ssyncadd.s32 $0xFFFFF800  }
0x8a: {  	[hbm4b:s18+s31] =	stream.strided.scatter [tilespmem:s5], [sflag:$0x3], $0x800, s0, s31, $0x38;
	[tilespmem:$0x8800] =	vst v63  }
0x8b: {  	_ =	swait.ge [sflag:s25], $0x800  }
0x8c: {  	[sflag:s25] =	ssyncset.done $0x0  }
0x8d: {  	s18 =	sadd.s32 $0x6, s22;
	[sflag:s25] =	ssyncadd.s32 $0xFFFFF800  }
0x8e: {  	[hbm4b:s18+s31] =	stream.strided.scatter [tilespmem:s6], [sflag:$0x3], $0x800, s0, s31, $0x38;
	[tilespmem:$0x8800] =	vst v63  }
0x8f: {  	_ =	swait.ge [sflag:s25], $0x800  }
0x90: {  	[sflag:s25] =	ssyncset.done $0x0  }
0x91: {  	s18 =	sadd.s32 $0x8, s22;
	[sflag:s25] =	ssyncadd.s32 $0xFFFFF800  }
0x92: {  	[hbm4b:s18+s31] =	stream.strided.scatter [tilespmem:s7], [sflag:$0x3], $0x800, s0, s31, $0x38;
	[tilespmem:$0x8800] =	vst v63  }
0x93: {  	_ =	swait.ge [sflag:s25], $0x800  }
0x94: {  	[sflag:s25] =	ssyncset.done $0x0  }
0x95: {  	s18 =	sadd.s32 $0xA, s22;
	[sflag:s25] =	ssyncadd.s32 $0xFFFFF800  }
0x96: {  	[hbm4b:s18+s31] =	stream.strided.scatter [tilespmem:s8], [sflag:$0x3], $0x800, s0, s31, $0x38;
	[tilespmem:$0x8800] =	vst v63  }
0x97: {  	_ =	swait.ge [sflag:s25], $0x800  }
0x98: {  	[sflag:s25] =	ssyncset.done $0x0  }
0x99: {  	s18 =	sadd.s32 $0xC, s22;
	[sflag:s25] =	ssyncadd.s32 $0xFFFFF800  }
0x9a: {  	[hbm4b:s18+s31] =	stream.strided.scatter [tilespmem:s9], [sflag:$0x3], $0x800, s0, s31, $0x38;
	[tilespmem:$0x8800] =	vst v63  }
0x9b: {  	_ =	swait.ge [sflag:s25], $0x800  }
0x9c: {  	[sflag:s25] =	ssyncset.done $0x0  }
0x9d: {  	s22 =	sadd.s32 $0xE, s22;
	[sflag:s25] =	ssyncadd.s32 $0xFFFFF800  }
0x9e: {  	[hbm4b:s22+s31] =	stream.strided.scatter [tilespmem:s10], [sflag:$0x3], $0x800, s0, s31, $0x38;
	[tilespmem:$0x8800] =	vst v63  }
0x9f: {  	_ =	swait.ge [sflag:s25], $0x800  }
0xa0: {  	[sflag:s25] =	ssyncset.done $0x0  }
0xa1: {  	[sflag:s25] =	ssyncadd.s32 $0xFFFFF800  }
0xa2: {  	_ =	swait.ge [sflag:s11], $0x4000  }
0xa3: {  	[sflag:s11] =	ssyncset.done $0x0  }
0xa4: {  	s23 =	sadd.s32 $0x100, s23;
	[sflag:s11] =	ssyncadd.s32 $0xFFFFC000  }
0xa5: {  	[tilespmem:s2], [sflag:$0x3] =	stream.linear.gather [hbm4b:s23+s2], $0x400, $0x38;
	[tilespmem:$0x8800] =	vst v63  }
0xa6: {  	_ =	swait.ge [sflag:s25], $0x400  }
0xa7: {  	[sflag:s25] =	ssyncset.done $0x0  }
0xa8: {  	s22 =	sand.u32 $0xC0000, s19;
	[sflag:s25] =	ssyncadd.s32 $0xFFFFFC00  }
0xa9: {  	[tilespmem:s28], [sflag:$0x1] =	stream.indirect.gather [hbm4b:s4+s26], $0x10, s2, s26, $0xb8;
	[tilespmem:$0x8800] =	vst v63  }
0xaa: {  	s22 =	sadd.s32 s22, s24  }
0xab: {  	[hbm4b:s22+s31] =	stream.strided.scatter [tilespmem:s30], [sflag:$0x3], $0x800, s0, s31, $0x38;
	[tilespmem:$0x8800] =	vst v63  }
0xac: {  	_ =	swait.ge [sflag:s25], $0x800  }
0xad: {  	[sflag:s25] =	ssyncset.done $0x0  }
0xae: {  	s18 =	sadd.s32 $0x2, s22;
	[sflag:s25] =	ssyncadd.s32 $0xFFFFF800  }
0xaf: {  	[hbm4b:s18+s31] =	stream.strided.scatter [tilespmem:s12], [sflag:$0x3], $0x800, s0, s31, $0x38;
	[tilespmem:$0x8800] =	vst v63  }
0xb0: {  	_ =	swait.ge [sflag:s25], $0x800  }
0xb1: {  	[sflag:s25] =	ssyncset.done $0x0  }
0xb2: {  	s24 =	sadd.s32 $0x4, s22;
	[sflag:s25] =	ssyncadd.s32 $0xFFFFF800  }
0xb3: {  	[hbm4b:s24+s31] =	stream.strided.scatter [tilespmem:s3], [sflag:$0x3], $0x800, s0, s31, $0x38;
	[tilespmem:$0x8800] =	vst v63  }
0xb4: {  	_ =	swait.ge [sflag:s25], $0x800  }
0xb5: {  	[sflag:s25] =	ssyncset.done $0x0  }
0xb6: {  	s24 =	sadd.s32 $0x6, s22;
	[sflag:s25] =	ssyncadd.s32 $0xFFFFF800  }
0xb7: {  	[hbm4b:s24+s31] =	stream.strided.scatter [tilespmem:s13], [sflag:$0x3], $0x800, s0, s31, $0x38;
	[tilespmem:$0x8800] =	vst v63  }
0xb8: {  	_ =	swait.ge [sflag:s25], $0x800  }
0xb9: {  	[sflag:s25] =	ssyncset.done $0x0  }
0xba: {  	s24 =	sadd.s32 $0x8, s22;
	[sflag:s25] =	ssyncadd.s32 $0xFFFFF800  }
0xbb: {  	[hbm4b:s24+s31] =	stream.strided.scatter [tilespmem:s14], [sflag:$0x3], $0x800, s0, s31, $0x38;
	[tilespmem:$0x8800] =	vst v63  }
0xbc: {  	_ =	swait.ge [sflag:s25], $0x800  }
0xbd: {  	[sflag:s25] =	ssyncset.done $0x0  }
0xbe: {  	s24 =	sadd.s32 $0xA, s22;
	[sflag:s25] =	ssyncadd.s32 $0xFFFFF800  }
0xbf: {  	[hbm4b:s24+s31] =	stream.strided.scatter [tilespmem:s15], [sflag:$0x3], $0x800, s0, s31, $0x38;
	[tilespmem:$0x8800] =	vst v63  }
0xc0: {  	_ =	swait.ge [sflag:s25], $0x800  }
0xc1: {  	[sflag:s25] =	ssyncset.done $0x0  }
0xc2: {  	s24 =	sadd.s32 $0xC, s22;
	[sflag:s25] =	ssyncadd.s32 $0xFFFFF800  }
0xc3: {  	[hbm4b:s24+s31] =	stream.strided.scatter [tilespmem:s16], [sflag:$0x3], $0x800, s0, s31, $0x38;
	[tilespmem:$0x8800] =	vst v63  }
0xc4: {  	_ =	swait.ge [sflag:s25], $0x800  }
0xc5: {  	[sflag:s25] =	ssyncset.done $0x0  }
0xc6: {  	p0 =	sne.s32 s20, $0x1800;
	s24 =	sadd.s32 $0xE, s22;
	[sflag:s25] =	ssyncadd.s32 $0xFFFFF800  }
0xc7: {  	[hbm4b:s24+s31] =	stream.strided.scatter [tilespmem:s17], [sflag:$0x3], $0x800, s0, s31, $0x38;
	[tilespmem:$0x8800] =	vst v63  }
.Ltmp0:
0xc8: {  	_ =	swait.ge [sflag:s25], $0x800;
	(pc) =	sbr.rel @p0 .LBB2_2-.Ltmp0, $4  }
0xc9: {  	[sflag:s25] =	ssyncset.done $0x0  }
0xca: {  	[sflag:s25] =	ssyncadd.s32 $0xFFFFF800  }
0xcb: {  	_ =	swait.ge [sflag:s29], $0x4000  }
0xcc: {  	s20 =	sadd.s32 $0x400, s20;
	s21 =	sadd.s32 $0x100, s21;
	[sflag:s29] =	ssyncset.done $0x0  }
0xcd: {  	[sflag:s29] =	ssyncadd.s32 $0xFFFFC000;
	s18 =	rddreg [dreg:$0x4]  }
0xce: {  	[tilespmem:s26], [sflag:$0x3] =	stream.linear.gather [hbm4b:s18+s2], $0x400, $0x38;
	[tilespmem:$0x8800] =	vst v63  }
0xcf: {  	_ =	swait.ge [sflag:s25], $0x400  }
0xd0: {  	[sflag:s25] =	ssyncset.done $0x0  }
0xd1: {  	[sflag:s25] =	ssyncadd.s32 $0xFFFFFC00  }
0xd2: {  	[tilespmem:s30], [sflag:$0x2] =	stream.indirect.gather [hbm4b:s4+s26], $0x10, s26, s26, $0xb8;
	[tilespmem:$0x8800] =	vst v63  }
0xd3: {  	s20 =	rddreg [dreg:$0x5]  }
0xd4: {  	[hbm4b:s20+s31] =	stream.strided.scatter [tilespmem:s28], [sflag:$0x3], $0x800, s0, s31, $0x38;
	[tilespmem:$0x8800] =	vst v63  }
0xd5: {  	_ =	swait.ge [sflag:s25], $0x800  }
0xd6: {  	[sflag:s25] =	ssyncset.done $0x0  }
0xd7: {  	s21 =	rddreg [dreg:$0x7];
	[sflag:s25] =	ssyncadd.s32 $0xFFFFF800  }
0xd8: {  	[hbm4b:s21+s31] =	stream.strided.scatter [tilespmem:s1], [sflag:$0x3], $0x800, s0, s31, $0x38;
	[tilespmem:$0x8800] =	vst v63  }
0xd9: {  	_ =	swait.ge [sflag:s25], $0x800  }
0xda: {  	[sflag:s25] =	ssyncset.done $0x0  }
0xdb: {  	s22 =	rddreg [dreg:$0x8];
	[sflag:s25] =	ssyncadd.s32 $0xFFFFF800  }
0xdc: {  	[hbm4b:s22+s31] =	stream.strided.scatter [tilespmem:s5], [sflag:$0x3], $0x800, s0, s31, $0x38;
	[tilespmem:$0x8800] =	vst v63  }
0xdd: {  	_ =	swait.ge [sflag:s25], $0x800  }
0xde: {  	[sflag:s25] =	ssyncset.done $0x0  }
0xdf: {  	s23 =	rddreg [dreg:$0x9];
	[sflag:s25] =	ssyncadd.s32 $0xFFFFF800  }
0xe0: {  	[hbm4b:s23+s31] =	stream.strided.scatter [tilespmem:s6], [sflag:$0x3], $0x800, s0, s31, $0x38;
	[tilespmem:$0x8800] =	vst v63  }
0xe1: {  	_ =	swait.ge [sflag:s25], $0x800  }
0xe2: {  	[sflag:s25] =	ssyncset.done $0x0  }
0xe3: {  	s24 =	rddreg [dreg:$0xa];
	[sflag:s25] =	ssyncadd.s32 $0xFFFFF800  }
0xe4: {  	[hbm4b:s24+s31] =	stream.strided.scatter [tilespmem:s7], [sflag:$0x3], $0x800, s0, s31, $0x38;
	[tilespmem:$0x8800] =	vst v63  }
0xe5: {  	_ =	swait.ge [sflag:s25], $0x800  }
0xe6: {  	[sflag:s25] =	ssyncset.done $0x0  }
0xe7: {  	s19 =	rddreg [dreg:$0xb];
	[sflag:s25] =	ssyncadd.s32 $0xFFFFF800  }
0xe8: {  	[hbm4b:s19+s31] =	stream.strided.scatter [tilespmem:s8], [sflag:$0x3], $0x800, s0, s31, $0x38;
	[tilespmem:$0x8800] =	vst v63  }
0xe9: {  	_ =	swait.ge [sflag:s25], $0x800  }
0xea: {  	[sflag:s25] =	ssyncset.done $0x0  }
0xeb: {  	s20 =	rddreg [dreg:$0xc];
	[sflag:s25] =	ssyncadd.s32 $0xFFFFF800  }
0xec: {  	[hbm4b:s20+s31] =	stream.strided.scatter [tilespmem:s9], [sflag:$0x3], $0x800, s0, s31, $0x38;
	[tilespmem:$0x8800] =	vst v63  }
0xed: {  	_ =	swait.ge [sflag:s25], $0x800  }
0xee: {  	[sflag:s25] =	ssyncset.done $0x0  }
0xef: {  	s21 =	rddreg [dreg:$0xd];
	[sflag:s25] =	ssyncadd.s32 $0xFFFFF800  }
0xf0: {  	[hbm4b:s21+s31] =	stream.strided.scatter [tilespmem:s10], [sflag:$0x3], $0x800, s0, s31, $0x38;
	[tilespmem:$0x8800] =	vst v63  }
0xf1: {  	_ =	swait.ge [sflag:s25], $0x800  }
0xf2: {  	[sflag:s25] =	ssyncset.done $0x0  }
0xf3: {  	[sflag:s25] =	ssyncadd.s32 $0xFFFFF800  }
0xf4: {  	_ =	swait.ge [sflag:s11], $0x4000  }
0xf5: {  	[sflag:s11] =	ssyncset.done $0x0  }
0xf6: {  	s22 =	rddreg [dreg:$0x6];
	[sflag:s11] =	ssyncadd.s32 $0xFFFFC000  }
0xf7: {  	[hbm4b:s22+s31] =	stream.strided.scatter [tilespmem:s30], [sflag:$0x3], $0x800, s0, s31, $0x38;
	[tilespmem:$0x8800] =	vst v63  }
0xf8: {  	_ =	swait.ge [sflag:s25], $0x800  }
0xf9: {  	[sflag:s25] =	ssyncset.done $0x0  }
0xfa: {  	s23 =	rddreg [dreg:$0xe];
	[sflag:s25] =	ssyncadd.s32 $0xFFFFF800  }
0xfb: {  	[hbm4b:s23+s31] =	stream.strided.scatter [tilespmem:s12], [sflag:$0x3], $0x800, s0, s31, $0x38;
	[tilespmem:$0x8800] =	vst v63  }
0xfc: {  	_ =	swait.ge [sflag:s25], $0x800  }
0xfd: {  	[sflag:s25] =	ssyncset.done $0x0  }
0xfe: {  	s24 =	rddreg [dreg:$0xf];
	[sflag:s25] =	ssyncadd.s32 $0xFFFFF800  }
0xff: {  	[hbm4b:s24+s31] =	stream.strided.scatter [tilespmem:s3], [sflag:$0x3], $0x800, s0, s31, $0x38;
	[tilespmem:$0x8800] =	vst v63  }
0x100: {  	_ =	swait.ge [sflag:s25], $0x800  }
0x101: {  	[sflag:s25] =	ssyncset.done $0x0  }
0x102: {  	s19 =	rddreg [dreg:$0x10];
	[sflag:s25] =	ssyncadd.s32 $0xFFFFF800  }
0x103: {  	[hbm4b:s19+s31] =	stream.strided.scatter [tilespmem:s13], [sflag:$0x3], $0x800, s0, s31, $0x38;
	[tilespmem:$0x8800] =	vst v63  }
0x104: {  	_ =	swait.ge [sflag:s25], $0x800  }
0x105: {  	[sflag:s25] =	ssyncset.done $0x0  }
0x106: {  	s20 =	rddreg [dreg:$0x11];
	[sflag:s25] =	ssyncadd.s32 $0xFFFFF800  }
0x107: {  	[hbm4b:s20+s31] =	stream.strided.scatter [tilespmem:s14], [sflag:$0x3], $0x800, s0, s31, $0x38;
	[tilespmem:$0x8800] =	vst v63  }
0x108: {  	_ =	swait.ge [sflag:s25], $0x800  }
0x109: {  	[sflag:s25] =	ssyncset.done $0x0  }
0x10a: {  	s21 =	rddreg [dreg:$0x13];
	[sflag:s25] =	ssyncadd.s32 $0xFFFFF800  }
0x10b: {  	[hbm4b:s21+s31] =	stream.strided.scatter [tilespmem:s15], [sflag:$0x3], $0x800, s0, s31, $0x38;
	[tilespmem:$0x8800] =	vst v63  }
0x10c: {  	_ =	swait.ge [sflag:s25], $0x800  }
0x10d: {  	[sflag:s25] =	ssyncset.done $0x0  }
0x10e: {  	s22 =	rddreg [dreg:$0x14];
	[sflag:s25] =	ssyncadd.s32 $0xFFFFF800  }
0x10f: {  	[hbm4b:s22+s31] =	stream.strided.scatter [tilespmem:s16], [sflag:$0x3], $0x800, s0, s31, $0x38;
	[tilespmem:$0x8800] =	vst v63  }
0x110: {  	_ =	swait.ge [sflag:s25], $0x800  }
0x111: {  	[sflag:s25] =	ssyncset.done $0x0  }
0x112: {  	s23 =	rddreg [dreg:$0x15];
	[sflag:s25] =	ssyncadd.s32 $0xFFFFF800  }
0x113: {  	[hbm4b:s23+s31] =	stream.strided.scatter [tilespmem:s17], [sflag:$0x3], $0x800, s0, s31, $0x38;
	[tilespmem:$0x8800] =	vst v63  }
0x114: {  	_ =	swait.ge [sflag:s25], $0x800  }
0x115: {  	s19 =	rddreg [dreg:$0x18]  }
0x116: {  	s24 =	rddreg [dreg:$0x12];
	s19 =	sadd.s32 $0x1, s19  }
0x117: {  	p0 =	sne.s32 s19, s24  }
.Ltmp1:
0x118: {  	_ = 	snop;
	(pc) =	sbr.rel @p0 .LBB2_1-.Ltmp1, $3  }
0x119: {  	_ =	sdelay $0x1  }
0x11a: {  	[sflag:s25] =	ssyncset.done $0x0  }
0x11b: {  	[sflag:s25] =	ssyncadd.s32 $0xFFFFF800  }
0x11c: {  	_ =	sfence.sel $0x180000  }
0x11d: {  	[bflag:$0x0] =	sbarrier.arrive $0xFFFF  }
0x11e: {  	_ =	strace $0x9000004A  }
0x11f: {  	s0 =	stileid.u32;
	[bflag:$0x2] =	sbarrier.arrive $0xFFFF  }
0x120: {  	p0 =	sne.s32 s0, $0x0;
	s0 =	rddreg [dreg:$0x1]  }
0x121: {  	s0 =	sadd.s32 @!p0 $0x100000, s0  }
0x122: {  	[sflag:s0] =	ssyncadd.tile.s32 @!p0 $0x1;
	_ =	shalt  }
.Lfunc_end2:
_tile_overlayer_lowered:
.L_overlay_start_2:
0x123: {  	(tag) =	ssettag $0x2  }
0x124: {  	s0 =	rddreg [dreg:$0x0];
	s2 =	stileid.u32  }
0x125: {  	s1 =	rddreg [dreg:$0x1];
	p0 =	sne.s32 s2, $0x0  }
0x126: {  	s3 =	rddreg [dreg:$0x2];
	[bflag:$0x3] =	sbarrier.arrive $0xFFFF;
	s2 =	simm.s32 @!p0 $0x1C03  }
0x127: {  	[timem:s3], [sflag:s2] =	dma.local @!p0 [hbm:s0], s1  }
0x128: {  	s0 =	simm.s32 @!p0 $0x3  }
0x129: {  	_ =	swait.ge @!p0 [sflag:s0], s1  }
0x12a: {  	s1 =	ssub.s32 @!p0 $0x0, s1;
	[sflag:s0] =	ssyncset.done @!p0 $0x0  }
0x12b: {  	[sflag:s0] =	ssyncadd.s32 @!p0 s1  }
0x12c: {  	[bflag:$0x3] =	sbarrier.arrive $0xFFFF  }
0x12d: {  	_ =	shalt  }

</sc_bundles>
